<compile_context>
chip_gen: v7x
topology: tpu7x:2x2x1
jax: 0.10.2.dev20260603
libtpu: 0.0.44.dev20260713+nightly
codegen_flags: <defaults>
</compile_context>

<pallas_src>
import functools

import jax
import jax.numpy as jnp
import numpy as np
from jax import lax
from jax.experimental import pallas as pl
from jax.experimental.pallas import tpu as pltpu
from jax.experimental.pallas import tpu_sc as plsc

N = 2708
D = 128
E = 43328
ALPHA = 0.2
KEEP = 0.9

NP = 2720
NC, NS, L = 2, 16, 16
NW = NC * NS
TPW = 1360
EP = NW * TPW
NSQ = N * N


def _np_threefry_keepmask():
    rot1 = (13, 15, 26, 6)
    rot2 = (17, 29, 16, 24)

    def rotl(v, d):
        return (v << np.uint32(d)) | (v >> np.uint32(32 - d))

    def rounds(x0, x1, rots):
        for r in rots:
            x0 = x0 + x1
            x1 = rotl(x1, r)
            x1 = x0 ^ x1
        return x0, x1

    old = np.seterr(over="ignore")
    try:
        ks0, ks1 = np.uint32(0), np.uint32(1234)
        ks2 = np.uint32(0x1BD11BDA) ^ ks0 ^ ks1
        idx = np.arange(NSQ, dtype=np.uint64)
        x0 = (idx >> np.uint64(32)).astype(np.uint32) + ks0
        x1 = (idx & np.uint64(0xFFFFFFFF)).astype(np.uint32) + ks1
        x0, x1 = rounds(x0, x1, rot1)
        x0, x1 = rounds(x0 + ks1, x1 + ks2 + np.uint32(1), rot2)
        x0, x1 = rounds(x0 + ks2, x1 + ks0 + np.uint32(2), rot1)
        x0, x1 = rounds(x0 + ks0, x1 + ks1 + np.uint32(3), rot2)
        x0, x1 = rounds(x0 + ks1, x1 + ks2 + np.uint32(4), rot1)
        bits = (x0 + ks2) ^ (x1 + ks0 + np.uint32(5))
    finally:
        np.seterr(**old)
    unif = ((bits >> np.uint32(9)) | np.uint32(0x3F800000)).view(np.float32)
    unif = np.maximum(unif - np.float32(1.0), np.float32(0.0))
    return (unif < np.float32(KEEP)).astype(np.float32) / np.float32(KEEP)


def _lrelu(v):
    return jnp.where(v > 0, v, ALPHA * v)


_SC_CACHE = {}


def _sc_kernels():
    if "k" in _SC_CACHE:
        return _SC_CACHE["k"]

    mesh = plsc.VectorSubcoreMesh(
        core_axis_name="c", subcore_axis_name="s",
        num_cores=NC, num_subcores=NS)

    def _bases():
        wid = lax.axis_index("s") * NC + lax.axis_index("c")
        slot = wid * TPW
        rd = jnp.minimum(slot, E - TPW)
        return wid, slot, rd

    def _tf_mask(key16):
        ks0, ks1 = 0, 1234
        ks2 = 0x1BD11BDA ^ ks0 ^ ks1

        def rotl(v, d):
            return lax.shift_left(v, jnp.int32(d)) | lax.shift_right_logical(
                v, jnp.int32(32 - d))

        def rounds(x0, x1, rots):
            for r in rots:
                x0 = x0 + x1
                x1 = rotl(x1, r)
                x1 = x0 ^ x1
            return x0, x1

        x0 = jnp.full_like(key16, ks0)
        x1 = key16 + ks1
        x0, x1 = rounds(x0, x1, (13, 15, 26, 6))
        x0, x1 = rounds(x0 + ks1, x1 + (ks2 + 1), (17, 29, 16, 24))
        x0, x1 = rounds(x0 + ks2, x1 + (ks0 + 2), (13, 15, 26, 6))
        x0, x1 = rounds(x0 + ks0, x1 + (ks1 + 3), (17, 29, 16, 24))
        x0, x1 = rounds(x0 + ks1, x1 + (ks2 + 4), (13, 15, 26, 6))
        bits = (x0 + ks2) ^ (x1 + (ks0 + 5))
        fbits = lax.shift_right_logical(bits, jnp.int32(9)) | jnp.int32(
            0x3F800000)
        unif = plsc.bitcast(fbits, jnp.float32) - jnp.float32(1.0)
        return jnp.where(unif < jnp.float32(KEEP),
                         jnp.float32(1.0 / KEEP), jnp.float32(0.0))

    @functools.partial(
        pl.kernel,
        out_type=jax.ShapeDtypeStruct((NSQ,), jnp.int32),
        mesh=mesh,
        compiler_params=pltpu.CompilerParams(needs_layout_passes=False),
        scratch_types=[
            pltpu.VMEM((TPW,), jnp.int32),
            pltpu.VMEM((TPW,), jnp.int32),
            pltpu.VMEM((TPW,), jnp.int32),
            pltpu.VMEM((TPW,), jnp.int32),
            pltpu.SemaphoreType.DMA,
        ],
    )
    def s1_scatter_ids(srch, dsth, buf, src_v, dst_v, key_v, ids_v, sem):
        _, slot, rd = _bases()
        pltpu.sync_copy(srch.at[pl.ds(rd, TPW)], src_v)
        pltpu.sync_copy(dsth.at[pl.ds(rd, TPW)], dst_v)
        def body(j, carry):
            sl = pl.ds(j * L, L)
            key_v[sl] = src_v[sl] * N + dst_v[sl]
            ids_v[sl] = lax.iota(jnp.int32, L) + (slot + j * L)
            return carry

        lax.fori_loop(0, TPW // L, body, 0, unroll=1)
        pltpu.async_copy(ids_v, buf.at[key_v], sem).wait()

    @functools.partial(
        pl.kernel,
        out_type=(
            jax.ShapeDtypeStruct((NW, NP), jnp.float32),
            jax.ShapeDtypeStruct((EP,), jnp.float32),
        ),
        mesh=mesh,
        compiler_params=pltpu.CompilerParams(needs_layout_passes=False),
        scratch_types=[
            pltpu.VMEM((TPW,), jnp.int32),
            pltpu.VMEM((TPW,), jnp.int32),
            pltpu.VMEM((TPW,), jnp.int32),
            pltpu.VMEM((TPW,), jnp.int32),
            pltpu.VMEM((NP,), jnp.float32),
            pltpu.VMEM((NP,), jnp.float32),
            pltpu.VMEM((128,), jnp.float32),
            pltpu.VMEM((NP,), jnp.float32),
            pltpu.VMEM((TPW,), jnp.float32),
            pltpu.SemaphoreType.DMA,
        ],
    )
    def s2_denoms(srch, dsth, f1h, f2h, bh, bufh, denomp, numh,
                  src_v, dst_v, key_v, win_v, f1_v, f2_v, b_v, dacc, num_v,
                  sem):
        wid, slot, rd = _bases()
        pltpu.sync_copy(srch.at[pl.ds(rd, TPW)], src_v)
        pltpu.sync_copy(dsth.at[pl.ds(rd, TPW)], dst_v)
        def key_body(j, carry):
            sl = pl.ds(j * L, L)
            key_v[sl] = src_v[sl] * N + dst_v[sl]
            return carry

        lax.fori_loop(0, TPW // L, key_body, 0, unroll=4)
        cp = pltpu.async_copy(bufh.at[key_v], win_v, sem)
        pltpu.sync_copy(f1h, f1_v)
        pltpu.sync_copy(f2h, f2_v)
        pltpu.sync_copy(bh, b_v)
        bvec = b_v[pl.ds(0, L)]

        def zero_body(t, carry):
            dacc[pl.ds(t * L, L)] = jnp.zeros((L,), jnp.float32)
            return carry

        lax.fori_loop(0, NP // L, zero_body, 0, unroll=4)
        cp.wait()

        def body(j, carry):
            sl = pl.ds(j * L, L)
            s16 = src_v[sl]
            id16 = lax.iota(jnp.int32, L) + (slot + j * L)
            f1s = plsc.load_gather(f1_v, [s16])
            f2d = plsc.load_gather(f2_v, [dst_v[sl]])
            l16 = _lrelu(f1s + f2d)
            g16 = _lrelu(f1s + bvec)
            u16 = jnp.where(win_v[sl] == id16, jnp.float32(1.0),
                            jnp.float32(0.0))
            du = u16 * jnp.exp(l16 - g16)
            plsc.addupdate_scatter(dacc, [s16], du)
            num_v[sl] = du * _tf_mask(key_v[sl])
            return carry

        lax.fori_loop(0, TPW // L, body, 0, unroll=1)
        pltpu.sync_copy(dacc, denomp.at[wid])
        pltpu.sync_copy(num_v, numh.at[pl.ds(slot, TPW)])

    @functools.partial(
        pl.kernel,
        out_type=(
            jax.ShapeDtypeStruct((NW, NP), jnp.float32),
            jax.ShapeDtypeStruct((NW, NP), jnp.float32),
            jax.ShapeDtypeStruct((NW, NP), jnp.float32),
        ),
        mesh=mesh,
        compiler_params=pltpu.CompilerParams(needs_layout_passes=False),
        scratch_types=[
            pltpu.VMEM((TPW,), jnp.int32),
            pltpu.VMEM((TPW,), jnp.int32),
            pltpu.VMEM((TPW,), jnp.float32),
            pltpu.VMEM((NP,), jnp.float32),
            pltpu.VMEM((NP,), jnp.float32),
            pltpu.VMEM((NP,), jnp.float32),
            pltpu.VMEM((NP,), jnp.float32),
            pltpu.SemaphoreType.DMA,
        ],
    )
    def s3_sums(srch, dsth, denomh, numh, rsp, csp, dgp,
                src_v, dst_v, num_v, den_v, racc, cacc, gacc, sem):
        wid, slot, rd = _bases()
        pltpu.sync_copy(srch.at[pl.ds(rd, TPW)], src_v)
        pltpu.sync_copy(dsth.at[pl.ds(rd, TPW)], dst_v)
        pltpu.sync_copy(numh.at[pl.ds(slot, TPW)], num_v)
        pltpu.sync_copy(denomh, den_v)
        zero = jnp.zeros((L,), jnp.float32)

        def zero_body(t, carry):
            tsl = pl.ds(t * L, L)
            racc[tsl] = zero
            cacc[tsl] = zero
            gacc[tsl] = zero
            return carry

        lax.fori_loop(0, NP // L, zero_body, 0, unroll=4)
        def body(j, carry):
            sl = pl.ds(j * L, L)
            s16 = src_v[sl]
            d16 = dst_v[sl]
            dn = plsc.load_gather(den_v, [s16])
            coef = jnp.where(dn > 0, num_v[sl] / dn, jnp.float32(0.0))
            plsc.addupdate_scatter(racc, [s16], coef)
            plsc.addupdate_scatter(cacc, [d16], coef)
            plsc.addupdate_scatter(
                gacc, [s16], jnp.where(s16 == d16, coef, jnp.float32(0.0)))
            return carry

        lax.fori_loop(0, TPW // L, body, 0, unroll=1)
        pltpu.sync_copy(racc, rsp.at[wid])
        pltpu.sync_copy(cacc, csp.at[wid])
        pltpu.sync_copy(gacc, dgp.at[wid])

    _SC_CACHE["k"] = (s1_scatter_ids, s2_denoms, s3_sums)
    return _SC_CACHE["k"]


def _tca_body(x_ref, wf_ref, a1_ref, a2_ref, f1_ref, f2_ref, bv_ref):
    x = x_ref[...]
    v1 = jnp.dot(wf_ref[...], a1_ref[...],
                 preferred_element_type=jnp.float32)
    v2 = jnp.dot(wf_ref[...], a2_ref[...],
                 preferred_element_type=jnp.float32)
    f1 = jnp.dot(x, v1, preferred_element_type=jnp.float32)
    f2 = jnp.dot(x, v2, preferred_element_type=jnp.float32)
    f1_ref[pl.ds(0, N), :] = f1
    f2_ref[pl.ds(0, N), :] = f2
    bv_ref[...] = jnp.full((128,), jnp.max(f2), jnp.float32)


def _tcr_body(dp_ref, out_ref):
    out_ref[...] = jnp.sum(dp_ref[...], axis=0)


def _tcs_body(rs_ref, cs_ref, dg_ref, s_ref):
    rs = jnp.sum(rs_ref[...], axis=0)
    cs = jnp.sum(cs_ref[...], axis=0)
    dg = jnp.sum(dg_ref[...], axis=0)
    s_ref[...] = (dg + 1.0) / (1.0 + 0.5 * (rs + cs))


def _tcf_body(x_ref, w0_ref, s_ref, out_ref):
    pre = jnp.dot(x_ref[...], w0_ref[...],
                  preferred_element_type=jnp.float32)
    out_ref[...] = jnp.maximum(pre * s_ref[pl.ds(0, N), :], 0.0)


def kernel(x, edge_index, W_fts, a1, b1, a2, b2, W0):
    s1_scatter_ids, s2_denoms, s3_sums = _sc_kernels()

    f1, f2, bv = pl.pallas_call(
        _tca_body,
        out_shape=(
            jax.ShapeDtypeStruct((NP, 1), jnp.float32),
            jax.ShapeDtypeStruct((NP, 1), jnp.float32),
            jax.ShapeDtypeStruct((128,), jnp.float32),
        ),
    )(x, W_fts, a1, a2)
    f1 = f1.reshape(NP)
    f2 = f2.reshape(NP)

    srch = edge_index[0]
    dsth = edge_index[1]
    buf = s1_scatter_ids(srch, dsth)
    denomp, num = s2_denoms(srch, dsth, f1, f2, bv, buf)
    denom = pl.pallas_call(
        _tcr_body,
        out_shape=jax.ShapeDtypeStruct((NP,), jnp.float32),
    )(denomp)
    rsp, csp, dgp = s3_sums(srch, dsth, denom, num)
    s = pl.pallas_call(
        _tcs_body,
        out_shape=jax.ShapeDtypeStruct((NP,), jnp.float32),
    )(rsp, csp, dgp)
    out = pl.pallas_call(
        _tcf_body,
        out_shape=jax.ShapeDtypeStruct((N, D), jnp.float32),
    )(x, W0, s.reshape(NP, 1))
    return out

# --- scband reference (transcript-rebuilt; emitter-appended) ---
"""Pipeline reference for scband-graph-convolution-52381421142755 (READ-ONLY COPY).

The authoritative reference and input builder live on the scoring server;
editing this copy changes nothing except your own understanding.
"""

import jax, jax.numpy as jnp
import numpy as np

N = 2708
DIN = 128
DOUT = 128
E = 43328
ALPHA = 0.2  # tf.nn.leaky_relu default
COEF_KEEP = 0.9  # 1 - coef_drop(0.1), hardcoded in module


def glorot(key, shape):
    s = np.sqrt(6.0 / (shape[0] + shape[1]))
    return jax.random.uniform(key, shape, minval=-s, maxval=s, dtype=jnp.float32)


def setup_inputs(seed: int = 0) -> dict:
    key = jax.random.key(seed)
    ks = jax.random.split(key, 8)
    x = jax.random.normal(ks[0], (N, DIN), dtype=jnp.float32)
    edge_index = jax.random.randint(ks[1], (2, E), 0, N, dtype=jnp.int32)
    # learned parameters
    W_fts = glorot(ks[2], (DIN, DOUT))          # conv1d(k=1, no bias) kernel
    a1 = glorot(ks[3], (DOUT, 1))                # conv1d -> 1 channel (f_1)
    b1 = jnp.zeros((1,), dtype=jnp.float32)
    a2 = glorot(ks[4], (DOUT, 1))                # conv1d -> 1 channel (f_2)
    b2 = jnp.zeros((1,), dtype=jnp.float32)
    W0 = glorot(ks[5], (DIN, DOUT))              # weights_0 (len(support) == 1)
    return {"x": x, "edge_index": edge_index, "W_fts": W_fts,
            "a1": a1, "b1": b1, "a2": a2, "b2": b2, "W0": W0}


def reference(x, edge_index, W_fts, a1, b1, a2, b2, W0):
    src = edge_index[0]
    dst = edge_index[1]
    # dense binary adjacency (TF SparseTensor pattern, values = 1.0)
    adj = jnp.zeros((N, N), dtype=jnp.float32).at[src, dst].set(1.0)
    mask = adj > 0

    # dropout=0.0 -> identity on x
    seq = x
    # conv1d(kernel=1, use_bias=False) == dense matmul
    seq_fts = seq @ W_fts                                   # [N, DOUT]
    f1 = seq_fts @ a1 + b1                                  # [N, 1]
    f2 = seq_fts @ a2 + b2                                  # [N, 1]

    # f_1 = adj * f1 (row broadcast), f_2 = adj * f2^T (col broadcast); sparse_add
    logits = adj * f1 + adj * f2.T                          # [N, N], only edge entries matter
    lrelu = jax.nn.leaky_relu(logits, negative_slope=ALPHA)

    # sparse_softmax: row-wise softmax over nonzero (edge) entries only
    neg_big = jnp.float32(-1e30)
    row_max = jnp.max(jnp.where(mask, lrelu, neg_big), axis=1, keepdims=True)
    ex = jnp.exp(jnp.where(mask, lrelu - row_max, neg_big))  # exp(-1e30) == 0
    denom = jnp.sum(ex, axis=1, keepdims=True)
    safe_denom = jnp.where(denom > 0, denom, 1.0)
    coefs = ex / safe_denom

    # dropout on coef values (coef_drop = 0.1), fixed key for determinism
    kd = jax.random.key(1234)
    keep_mask = jax.random.bernoulli(kd, COEF_KEEP, coefs.shape).astype(jnp.float32)
    coefs = coefs * keep_mask / COEF_KEEP

    # symmetrize: (coefs + coefs^T) / 2
    coefs = (coefs + coefs.T) / 2.0

    # coefs_I = diag(rowsum ** 0)  (== identity, pow(x,0)=1)
    coefs_I = jnp.diag(jnp.power(jnp.sum(coefs, axis=1), 0.0))
    coefs_mat = coefs + coefs_I

    rowsum = jnp.sum(coefs_mat, axis=1, keepdims=True)      # [N, 1]
    d_inv_sqrt = jnp.power(rowsum, -0.5)
    d_inv_inverse = jnp.power(d_inv_sqrt, -1.0)
    inf = jnp.isinf(d_inv_sqrt).astype(jnp.float32)
    d = jnp.power(d_inv_inverse + inf, -1.0)
    d = d - inf
    d = jnp.sum(d, axis=1)                                  # [N]
    d_mat_inv_sqrt = jnp.diag(d)

    # NOTE: elementwise multiplies with a diag matrix (faithful to tf.multiply)
    Support_mat = (coefs_mat * d_mat_inv_sqrt).T * d_mat_inv_sqrt

    pre_sup = x @ W0                                        # dot(x, weights_0)
    support = Support_mat @ pre_sup                         # dot(Support_mat, pre_sup)
    output = support                                        # add_n over 1 support
    return jax.nn.relu(output)

if __name__ == "__main__":
    import jax
    _d = setup_inputs()
    print(jax.jit(kernel)(*tuple(_d.values())))

</pallas_src>

<mosaic_0001>
#map = affine_map<(d0, d1) -> (0)>
#map1 = affine_map<(d0, d1) -> (0, 0)>
module attributes {stable_mosaic.version = 14 : i64} {
  func.func @s3_sums(%arg0: i32, %arg1: i32, %arg2: memref<43328xi32, #tpu.memory_space<hbm>>, %arg3: memref<43328xi32, #tpu.memory_space<hbm>>, %arg4: memref<2720xf32, #tpu.memory_space<hbm>>, %arg5: memref<43520xf32, #tpu.memory_space<hbm>>, %arg6: memref<32x2720xf32, #tpu.memory_space<hbm>>, %arg7: memref<32x2720xf32, #tpu.memory_space<hbm>>, %arg8: memref<32x2720xf32, #tpu.memory_space<hbm>>, %arg9: memref<1360xi32, #tpu.memory_space<vmem>>, %arg10: memref<1360xi32, #tpu.memory_space<vmem>>, %arg11: memref<1360xf32, #tpu.memory_space<vmem>>, %arg12: memref<2720xf32, #tpu.memory_space<vmem>>, %arg13: memref<2720xf32, #tpu.memory_space<vmem>>, %arg14: memref<2720xf32, #tpu.memory_space<vmem>>, %arg15: memref<2720xf32, #tpu.memory_space<vmem>>, %arg16: memref<!tpu.dma_semaphore, #tpu.memory_space<semaphore_mem>>) attributes {dimension_semantics = [#tpu.dimension_semantics<core_parallel>, #tpu.dimension_semantics<subcore_parallel>], iteration_bounds = array<i64: 2, 16>, scalar_prefetch = 0 : i64, scratch_operands = 8 : i64, tpu.core_type = #tpu.core_type<sc_vector_subcore>, window_params = [{transform_indices = #map}, {transform_indices = #map}, {transform_indices = #map}, {transform_indices = #map}, {transform_indices = #map1}, {transform_indices = #map1}, {transform_indices = #map1}]} {
    %mul3A = arith.constant 2 : i32
    %mul3A_0 = arith.muli %arg1, %mul3A : i32
    %add3A = arith.addi %mul3A_0, %arg0 : i32
    %mul3A_1 = arith.constant 1360 : i32
    %mul3A_2 = arith.muli %add3A, %mul3A_1 : i32
    %min3A = arith.constant 41968 : i32
    %min3A_3 = arith.minsi %mul3A_2, %min3A : i32
    "tpu.region"() ({
      %run_scoped3A = tpu.sem_alloc : memref<!tpu.dma_semaphore, #tpu.memory_space<semaphore_mem>>
      %dma_start3A = tpu.memref_slice %arg2[%min3A_3] : memref<43328xi32, #tpu.memory_space<hbm>> -> memref<1360xi32, #tpu.memory_space<hbm>>
      %dma_start3A_35 = tpu.memref_slice %arg2[%min3A_3] : memref<43328xi32, #tpu.memory_space<hbm>> -> memref<1360xi32, #tpu.memory_space<hbm>>
      tpu.enqueue_dma source(%dma_start3A_35 : memref<1360xi32, #tpu.memory_space<hbm>>) target(%arg9 : memref<1360xi32, #tpu.memory_space<vmem>>) target_semaphore(%run_scoped3A : memref<!tpu.dma_semaphore, #tpu.memory_space<semaphore_mem>>)
      %dma_wait3A = tpu.memref_slice %arg2[%min3A_3] : memref<43328xi32, #tpu.memory_space<hbm>> -> memref<1360xi32, #tpu.memory_space<hbm>>
      %dma_wait3A_36 = tpu.memref_slice %arg2[%min3A_3] : memref<43328xi32, #tpu.memory_space<hbm>> -> memref<1360xi32, #tpu.memory_space<hbm>>
      tpu.wait_dma2 semaphore(%run_scoped3A : memref<!tpu.dma_semaphore, #tpu.memory_space<semaphore_mem>>) src(%dma_wait3A_36 : memref<1360xi32, #tpu.memory_space<hbm>>) dst(%arg9 : memref<1360xi32, #tpu.memory_space<vmem>>)
      tpu.yield
    }) : () -> ()
    "tpu.region"() ({
      %run_scoped3A = tpu.sem_alloc : memref<!tpu.dma_semaphore, #tpu.memory_space<semaphore_mem>>
      %dma_start3A = tpu.memref_slice %arg3[%min3A_3] : memref<43328xi32, #tpu.memory_space<hbm>> -> memref<1360xi32, #tpu.memory_space<hbm>>
      %dma_start3A_35 = tpu.memref_slice %arg3[%min3A_3] : memref<43328xi32, #tpu.memory_space<hbm>> -> memref<1360xi32, #tpu.memory_space<hbm>>
      tpu.enqueue_dma source(%dma_start3A_35 : memref<1360xi32, #tpu.memory_space<hbm>>) target(%arg10 : memref<1360xi32, #tpu.memory_space<vmem>>) target_semaphore(%run_scoped3A : memref<!tpu.dma_semaphore, #tpu.memory_space<semaphore_mem>>)
      %dma_wait3A = tpu.memref_slice %arg3[%min3A_3] : memref<43328xi32, #tpu.memory_space<hbm>> -> memref<1360xi32, #tpu.memory_space<hbm>>
      %dma_wait3A_36 = tpu.memref_slice %arg3[%min3A_3] : memref<43328xi32, #tpu.memory_space<hbm>> -> memref<1360xi32, #tpu.memory_space<hbm>>
      tpu.wait_dma2 semaphore(%run_scoped3A : memref<!tpu.dma_semaphore, #tpu.memory_space<semaphore_mem>>) src(%dma_wait3A_36 : memref<1360xi32, #tpu.memory_space<hbm>>) dst(%arg10 : memref<1360xi32, #tpu.memory_space<vmem>>)
      tpu.yield
    }) : () -> ()
    "tpu.region"() ({
      %run_scoped3A = tpu.sem_alloc : memref<!tpu.dma_semaphore, #tpu.memory_space<semaphore_mem>>
      %dma_start3A = tpu.memref_slice %arg5[%mul3A_2] : memref<43520xf32, #tpu.memory_space<hbm>> -> memref<1360xf32, #tpu.memory_space<hbm>>
      %dma_start3A_35 = tpu.memref_slice %arg5[%mul3A_2] : memref<43520xf32, #tpu.memory_space<hbm>> -> memref<1360xf32, #tpu.memory_space<hbm>>
      tpu.enqueue_dma source(%dma_start3A_35 : memref<1360xf32, #tpu.memory_space<hbm>>) target(%arg11 : memref<1360xf32, #tpu.memory_space<vmem>>) target_semaphore(%run_scoped3A : memref<!tpu.dma_semaphore, #tpu.memory_space<semaphore_mem>>)
      %dma_wait3A = tpu.memref_slice %arg5[%mul3A_2] : memref<43520xf32, #tpu.memory_space<hbm>> -> memref<1360xf32, #tpu.memory_space<hbm>>
      %dma_wait3A_36 = tpu.memref_slice %arg5[%mul3A_2] : memref<43520xf32, #tpu.memory_space<hbm>> -> memref<1360xf32, #tpu.memory_space<hbm>>
      tpu.wait_dma2 semaphore(%run_scoped3A : memref<!tpu.dma_semaphore, #tpu.memory_space<semaphore_mem>>) src(%dma_wait3A_36 : memref<1360xf32, #tpu.memory_space<hbm>>) dst(%arg11 : memref<1360xf32, #tpu.memory_space<vmem>>)
      tpu.yield
    }) : () -> ()
    "tpu.region"() ({
      %run_scoped3A = tpu.sem_alloc : memref<!tpu.dma_semaphore, #tpu.memory_space<semaphore_mem>>
      tpu.enqueue_dma source(%arg4 : memref<2720xf32, #tpu.memory_space<hbm>>) target(%arg12 : memref<2720xf32, #tpu.memory_space<vmem>>) target_semaphore(%run_scoped3A : memref<!tpu.dma_semaphore, #tpu.memory_space<semaphore_mem>>)
      tpu.wait_dma2 semaphore(%run_scoped3A : memref<!tpu.dma_semaphore, #tpu.memory_space<semaphore_mem>>) src(%arg4 : memref<2720xf32, #tpu.memory_space<hbm>>) dst(%arg12 : memref<2720xf32, #tpu.memory_space<vmem>>)
      tpu.yield
    }) : () -> ()
    %broadcast_in_dim3A = arith.constant 0.000000e+00 : f32
    %broadcast_in_dim3A_4 = vector.broadcast %broadcast_in_dim3A : f32 to vector<16xf32>
    %scan3A = arith.constant 0 : i32
    %scan3A_5 = arith.constant 0 : i32
    %scan3A_6 = arith.constant 168 : i32
    %scan3A_7 = arith.addi %scan3A_5, %scan3A_6 : i32
    %scan3A_8 = arith.constant 4 : i32
    scf.for %scan3A_35 = %scan3A_5 to %scan3A_7 step %scan3A_8  : i32 {
      %mul3A_36 = arith.constant 16 : i32
      %mul3A_37 = arith.muli %scan3A_35, %mul3A_36 : i32
      %swap3A_38 = arith.index_cast %mul3A_37 : i32 to index
      %swap3A_39 = tpu.vector_load %arg13[%swap3A_38] {strides = array<i32>} : memref<2720xf32, #tpu.memory_space<vmem>>, vector<16xf32>,
      tpu.vector_store %arg13[%swap3A_38], %broadcast_in_dim3A_4 {strides = array<i32>} : memref<2720xf32, #tpu.memory_space<vmem>>, vector<16xf32>,
      %swap3A_40 = arith.index_cast %mul3A_37 : i32 to index
      %swap3A_41 = tpu.vector_load %arg14[%swap3A_40] {strides = array<i32>} : memref<2720xf32, #tpu.memory_space<vmem>>, vector<16xf32>,
      tpu.vector_store %arg14[%swap3A_40], %broadcast_in_dim3A_4 {strides = array<i32>} : memref<2720xf32, #tpu.memory_space<vmem>>, vector<16xf32>,
      %swap3A_42 = arith.index_cast %mul3A_37 : i32 to index
      %swap3A_43 = tpu.vector_load %arg15[%swap3A_42] {strides = array<i32>} : memref<2720xf32, #tpu.memory_space<vmem>>, vector<16xf32>,
      tpu.vector_store %arg15[%swap3A_42], %broadcast_in_dim3A_4 {strides = array<i32>} : memref<2720xf32, #tpu.memory_space<vmem>>, vector<16xf32>,
      %scan3A_44 = arith.constant 1 : i32
      %scan3A_45 = arith.addi %scan3A_35, %scan3A_44 : i32
      %mul3A_46 = arith.constant 16 : i32
      %mul3A_47 = arith.muli %scan3A_45, %mul3A_46 : i32
      %swap3A_48 = arith.index_cast %mul3A_47 : i32 to index
      %swap3A_49 = tpu.vector_load %arg13[%swap3A_48] {strides = array<i32>} : memref<2720xf32, #tpu.memory_space<vmem>>, vector<16xf32>,
      tpu.vector_store %arg13[%swap3A_48], %broadcast_in_dim3A_4 {strides = array<i32>} : memref<2720xf32, #tpu.memory_space<vmem>>, vector<16xf32>,
      %swap3A_50 = arith.index_cast %mul3A_47 : i32 to index
      %swap3A_51 = tpu.vector_load %arg14[%swap3A_50] {strides = array<i32>} : memref<2720xf32, #tpu.memory_space<vmem>>, vector<16xf32>,
      tpu.vector_store %arg14[%swap3A_50], %broadcast_in_dim3A_4 {strides = array<i32>} : memref<2720xf32, #tpu.memory_space<vmem>>, vector<16xf32>,
      %swap3A_52 = arith.index_cast %mul3A_47 : i32 to index
      %swap3A_53 = tpu.vector_load %arg15[%swap3A_52] {strides = array<i32>} : memref<2720xf32, #tpu.memory_space<vmem>>, vector<16xf32>,
      tpu.vector_store %arg15[%swap3A_52], %broadcast_in_dim3A_4 {strides = array<i32>} : memref<2720xf32, #tpu.memory_space<vmem>>, vector<16xf32>,
      %scan3A_54 = arith.constant 2 : i32
      %scan3A_55 = arith.addi %scan3A_35, %scan3A_54 : i32
      %mul3A_56 = arith.constant 16 : i32
      %mul3A_57 = arith.muli %scan3A_55, %mul3A_56 : i32
      %swap3A_58 = arith.index_cast %mul3A_57 : i32 to index
      %swap3A_59 = tpu.vector_load %arg13[%swap3A_58] {strides = array<i32>} : memref<2720xf32, #tpu.memory_space<vmem>>, vector<16xf32>,
      tpu.vector_store %arg13[%swap3A_58], %broadcast_in_dim3A_4 {strides = array<i32>} : memref<2720xf32, #tpu.memory_space<vmem>>, vector<16xf32>,
      %swap3A_60 = arith.index_cast %mul3A_57 : i32 to index
      %swap3A_61 = tpu.vector_load %arg14[%swap3A_60] {strides = array<i32>} : memref<2720xf32, #tpu.memory_space<vmem>>, vector<16xf32>,
      tpu.vector_store %arg14[%swap3A_60], %broadcast_in_dim3A_4 {strides = array<i32>} : memref<2720xf32, #tpu.memory_space<vmem>>, vector<16xf32>,
      %swap3A_62 = arith.index_cast %mul3A_57 : i32 to index
      %swap3A_63 = tpu.vector_load %arg15[%swap3A_62] {strides = array<i32>} : memref<2720xf32, #tpu.memory_space<vmem>>, vector<16xf32>,
      tpu.vector_store %arg15[%swap3A_62], %broadcast_in_dim3A_4 {strides = array<i32>} : memref<2720xf32, #tpu.memory_space<vmem>>, vector<16xf32>,
      %scan3A_64 = arith.constant 3 : i32
      %scan3A_65 = arith.addi %scan3A_35, %scan3A_64 : i32
      %mul3A_66 = arith.constant 16 : i32
      %mul3A_67 = arith.muli %scan3A_65, %mul3A_66 : i32
      %swap3A_68 = arith.index_cast %mul3A_67 : i32 to index
      %swap3A_69 = tpu.vector_load %arg13[%swap3A_68] {strides = array<i32>} : memref<2720xf32, #tpu.memory_space<vmem>>, vector<16xf32>,
      tpu.vector_store %arg13[%swap3A_68], %broadcast_in_dim3A_4 {strides = array<i32>} : memref<2720xf32, #tpu.memory_space<vmem>>, vector<16xf32>,
      %swap3A_70 = arith.index_cast %mul3A_67 : i32 to index
      %swap3A_71 = tpu.vector_load %arg14[%swap3A_70] {strides = array<i32>} : memref<2720xf32, #tpu.memory_space<vmem>>, vector<16xf32>,
      tpu.vector_store %arg14[%swap3A_70], %broadcast_in_dim3A_4 {strides = array<i32>} : memref<2720xf32, #tpu.memory_space<vmem>>, vector<16xf32>,
      %swap3A_72 = arith.index_cast %mul3A_67 : i32 to index
      %swap3A_73 = tpu.vector_load %arg15[%swap3A_72] {strides = array<i32>} : memref<2720xf32, #tpu.memory_space<vmem>>, vector<16xf32>,
      tpu.vector_store %arg15[%swap3A_72], %broadcast_in_dim3A_4 {strides = array<i32>} : memref<2720xf32, #tpu.memory_space<vmem>>, vector<16xf32>,
    }
    %scan3A_9 = arith.constant 168 : i32
    %scan3A_10 = arith.addi %scan3A_5, %scan3A_9 : i32
    %mul3A_11 = arith.constant 16 : i32
    %mul3A_12 = arith.muli %scan3A_10, %mul3A_11 : i32
    %swap3A = arith.index_cast %mul3A_12 : i32 to index
    %swap3A_13 = tpu.vector_load %arg13[%swap3A] {strides = array<i32>} : memref<2720xf32, #tpu.memory_space<vmem>>, vector<16xf32>,
    tpu.vector_store %arg13[%swap3A], %broadcast_in_dim3A_4 {strides = array<i32>} : memref<2720xf32, #tpu.memory_space<vmem>>, vector<16xf32>,
    %swap3A_14 = arith.index_cast %mul3A_12 : i32 to index
    %swap3A_15 = tpu.vector_load %arg14[%swap3A_14] {strides = array<i32>} : memref<2720xf32, #tpu.memory_space<vmem>>, vector<16xf32>,
    tpu.vector_store %arg14[%swap3A_14], %broadcast_in_dim3A_4 {strides = array<i32>} : memref<2720xf32, #tpu.memory_space<vmem>>, vector<16xf32>,
    %swap3A_16 = arith.index_cast %mul3A_12 : i32 to index
    %swap3A_17 = tpu.vector_load %arg15[%swap3A_16] {strides = array<i32>} : memref<2720xf32, #tpu.memory_space<vmem>>, vector<16xf32>,
    tpu.vector_store %arg15[%swap3A_16], %broadcast_in_dim3A_4 {strides = array<i32>} : memref<2720xf32, #tpu.memory_space<vmem>>, vector<16xf32>,
    %scan3A_18 = arith.constant 169 : i32
    %scan3A_19 = arith.addi %scan3A_5, %scan3A_18 : i32
    %mul3A_20 = arith.constant 16 : i32
    %mul3A_21 = arith.muli %scan3A_19, %mul3A_20 : i32
    %swap3A_22 = arith.index_cast %mul3A_21 : i32 to index
    %swap3A_23 = tpu.vector_load %arg13[%swap3A_22] {strides = array<i32>} : memref<2720xf32, #tpu.memory_space<vmem>>, vector<16xf32>,
    tpu.vector_store %arg13[%swap3A_22], %broadcast_in_dim3A_4 {strides = array<i32>} : memref<2720xf32, #tpu.memory_space<vmem>>, vector<16xf32>,
    %swap3A_24 = arith.index_cast %mul3A_21 : i32 to index
    %swap3A_25 = tpu.vector_load %arg14[%swap3A_24] {strides = array<i32>} : memref<2720xf32, #tpu.memory_space<vmem>>, vector<16xf32>,
    tpu.vector_store %arg14[%swap3A_24], %broadcast_in_dim3A_4 {strides = array<i32>} : memref<2720xf32, #tpu.memory_space<vmem>>, vector<16xf32>,
    %swap3A_26 = arith.index_cast %mul3A_21 : i32 to index
    %swap3A_27 = tpu.vector_load %arg15[%swap3A_26] {strides = array<i32>} : memref<2720xf32, #tpu.memory_space<vmem>>, vector<16xf32>,
    tpu.vector_store %arg15[%swap3A_26], %broadcast_in_dim3A_4 {strides = array<i32>} : memref<2720xf32, #tpu.memory_space<vmem>>, vector<16xf32>,
    %scan3A_28 = arith.constant 170 : i32
    %scan3A_29 = arith.constant 0 : i32
    %scan3A_30 = arith.constant 0 : i32
    %scan3A_31 = arith.constant 85 : i32
    %scan3A_32 = arith.addi %scan3A_30, %scan3A_31 : i32
    %scan3A_33 = arith.constant 1 : i32
    scf.for %scan3A_35 = %scan3A_30 to %scan3A_32 step %scan3A_33  : i32 {
      %mul3A_36 = arith.constant 16 : i32
      %mul3A_37 = arith.muli %scan3A_35, %mul3A_36 : i32
      %get3A = arith.index_cast %mul3A_37 : i32 to index
      %get3A_38 = tpu.vector_load %arg9[%get3A] {strides = array<i32>} : memref<1360xi32, #tpu.memory_space<vmem>>, vector<16xi32>,
      %get3A_39 = arith.index_cast %mul3A_37 : i32 to index
      %get3A_40 = tpu.vector_load %arg10[%get3A_39] {strides = array<i32>} : memref<1360xi32, #tpu.memory_space<vmem>>, vector<16xi32>,
      %gather3A = tpu.vector_load_idx %arg12[%get3A_38] : memref<2720xf32, #tpu.memory_space<vmem>>[vector<16xi32>], vector<16xf32>,
      %gt3A = arith.constant 0.000000e+00 : f32
      %gt3A_41 = vector.broadcast %gt3A : f32 to vector<16xf32>
      %gt3A_42 = arith.cmpf ogt, %gather3A, %gt3A_41 : vector<16xf32>
      %get3A_43 = arith.index_cast %mul3A_37 : i32 to index
      %get3A_44 = tpu.vector_load %arg11[%get3A_43] {strides = array<i32>} : memref<1360xf32, #tpu.memory_space<vmem>>, vector<16xf32>,
      %div3A = arith.divf %get3A_44, %gather3A : vector<16xf32>
      %jit3A = arith.constant 0.000000e+00 : f32
      %broadcast_in_dim3A_45 = vector.broadcast %jit3A : f32 to vector<16xf32>
      %select_n3A = arith.select %gt3A_42, %div3A, %broadcast_in_dim3A_45 : vector<16xi1>, vector<16xf32>
      tpu.vector_store_idx %arg13[%get3A_38], %select_n3A {add = true} : memref<2720xf32, #tpu.memory_space<vmem>>[vector<16xi32>], vector<16xf32>,
      tpu.vector_store_idx %arg14[%get3A_40], %select_n3A {add = true} : memref<2720xf32, #tpu.memory_space<vmem>>[vector<16xi32>], vector<16xf32>,
      %eq3A = arith.cmpi eq, %get3A_38, %get3A_40 : vector<16xi32>
      %jit3A_46 = arith.constant 0.000000e+00 : f32
      %broadcast_in_dim3A_47 = vector.broadcast %jit3A_46 : f32 to vector<16xf32>
      %select_n3A_48 = arith.select %eq3A, %select_n3A, %broadcast_in_dim3A_47 : vector<16xi1>, vector<16xf32>
      tpu.vector_store_idx %arg15[%get3A_38], %select_n3A_48 {add = true} : memref<2720xf32, #tpu.memory_space<vmem>>[vector<16xi32>], vector<16xf32>,
    }
    %scan3A_34 = arith.constant 85 : i32
    "tpu.region"() ({
      %run_scoped3A = tpu.sem_alloc : memref<!tpu.dma_semaphore, #tpu.memory_space<semaphore_mem>>
      %dma_start3A = arith.constant 0 : i32
      %dma_start3A_35 = tpu.memref_slice %arg6[%add3A, %dma_start3A] : memref<32x2720xf32, #tpu.memory_space<hbm>> -> memref<1x2720xf32, #tpu.memory_space<hbm>>
      %dma_start3A_36 = tpu.memref_squeeze %dma_start3A_35 : memref<1x2720xf32, #tpu.memory_space<hbm>> -> memref<2720xf32, #tpu.memory_space<hbm>>
      %dma_start3A_37 = arith.constant 0 : i32
      %dma_start3A_38 = tpu.memref_slice %arg6[%add3A, %dma_start3A_37] : memref<32x2720xf32, #tpu.memory_space<hbm>> -> memref<1x2720xf32, #tpu.memory_space<hbm>>
      %dma_start3A_39 = tpu.memref_squeeze %dma_start3A_38 : memref<1x2720xf32, #tpu.memory_space<hbm>> -> memref<2720xf32, #tpu.memory_space<hbm>>
      tpu.enqueue_dma source(%arg13 : memref<2720xf32, #tpu.memory_space<vmem>>) target(%dma_start3A_39 : memref<2720xf32, #tpu.memory_space<hbm>>) target_semaphore(%run_scoped3A : memref<!tpu.dma_semaphore, #tpu.memory_space<semaphore_mem>>)
      %dma_wait3A = arith.constant 0 : i32
      %dma_wait3A_40 = tpu.memref_slice %arg6[%add3A, %dma_wait3A] : memref<32x2720xf32, #tpu.memory_space<hbm>> -> memref<1x2720xf32, #tpu.memory_space<hbm>>
      %dma_wait3A_41 = tpu.memref_squeeze %dma_wait3A_40 : memref<1x2720xf32, #tpu.memory_space<hbm>> -> memref<2720xf32, #tpu.memory_space<hbm>>
      %dma_wait3A_42 = arith.constant 0 : i32
      %dma_wait3A_43 = tpu.memref_slice %arg6[%add3A, %dma_wait3A_42] : memref<32x2720xf32, #tpu.memory_space<hbm>> -> memref<1x2720xf32, #tpu.memory_space<hbm>>
      %dma_wait3A_44 = tpu.memref_squeeze %dma_wait3A_43 : memref<1x2720xf32, #tpu.memory_space<hbm>> -> memref<2720xf32, #tpu.memory_space<hbm>>
      tpu.wait_dma2 semaphore(%run_scoped3A : memref<!tpu.dma_semaphore, #tpu.memory_space<semaphore_mem>>) src(%arg13 : memref<2720xf32, #tpu.memory_space<vmem>>) dst(%dma_wait3A_44 : memref<2720xf32, #tpu.memory_space<hbm>>)
      tpu.yield
    }) : () -> ()
    "tpu.region"() ({
      %run_scoped3A = tpu.sem_alloc : memref<!tpu.dma_semaphore, #tpu.memory_space<semaphore_mem>>
      %dma_start3A = arith.constant 0 : i32
      %dma_start3A_35 = tpu.memref_slice %arg7[%add3A, %dma_start3A] : memref<32x2720xf32, #tpu.memory_space<hbm>> -> memref<1x2720xf32, #tpu.memory_space<hbm>>
      %dma_start3A_36 = tpu.memref_squeeze %dma_start3A_35 : memref<1x2720xf32, #tpu.memory_space<hbm>> -> memref<2720xf32, #tpu.memory_space<hbm>>
      %dma_start3A_37 = arith.constant 0 : i32
      %dma_start3A_38 = tpu.memref_slice %arg7[%add3A, %dma_start3A_37] : memref<32x2720xf32, #tpu.memory_space<hbm>> -> memref<1x2720xf32, #tpu.memory_space<hbm>>
      %dma_start3A_39 = tpu.memref_squeeze %dma_start3A_38 : memref<1x2720xf32, #tpu.memory_space<hbm>> -> memref<2720xf32, #tpu.memory_space<hbm>>
      tpu.enqueue_dma source(%arg14 : memref<2720xf32, #tpu.memory_space<vmem>>) target(%dma_start3A_39 : memref<2720xf32, #tpu.memory_space<hbm>>) target_semaphore(%run_scoped3A : memref<!tpu.dma_semaphore, #tpu.memory_space<semaphore_mem>>)
      %dma_wait3A = arith.constant 0 : i32
      %dma_wait3A_40 = tpu.memref_slice %arg7[%add3A, %dma_wait3A] : memref<32x2720xf32, #tpu.memory_space<hbm>> -> memref<1x2720xf32, #tpu.memory_space<hbm>>
      %dma_wait3A_41 = tpu.memref_squeeze %dma_wait3A_40 : memref<1x2720xf32, #tpu.memory_space<hbm>> -> memref<2720xf32, #tpu.memory_space<hbm>>
      %dma_wait3A_42 = arith.constant 0 : i32
      %dma_wait3A_43 = tpu.memref_slice %arg7[%add3A, %dma_wait3A_42] : memref<32x2720xf32, #tpu.memory_space<hbm>> -> memref<1x2720xf32, #tpu.memory_space<hbm>>
      %dma_wait3A_44 = tpu.memref_squeeze %dma_wait3A_43 : memref<1x2720xf32, #tpu.memory_space<hbm>> -> memref<2720xf32, #tpu.memory_space<hbm>>
      tpu.wait_dma2 semaphore(%run_scoped3A : memref<!tpu.dma_semaphore, #tpu.memory_space<semaphore_mem>>) src(%arg14 : memref<2720xf32, #tpu.memory_space<vmem>>) dst(%dma_wait3A_44 : memref<2720xf32, #tpu.memory_space<hbm>>)
      tpu.yield
    }) : () -> ()
    "tpu.region"() ({
      %run_scoped3A = tpu.sem_alloc : memref<!tpu.dma_semaphore, #tpu.memory_space<semaphore_mem>>
      %dma_start3A = arith.constant 0 : i32
      %dma_start3A_35 = tpu.memref_slice %arg8[%add3A, %dma_start3A] : memref<32x2720xf32, #tpu.memory_space<hbm>> -> memref<1x2720xf32, #tpu.memory_space<hbm>>
      %dma_start3A_36 = tpu.memref_squeeze %dma_start3A_35 : memref<1x2720xf32, #tpu.memory_space<hbm>> -> memref<2720xf32, #tpu.memory_space<hbm>>
      %dma_start3A_37 = arith.constant 0 : i32
      %dma_start3A_38 = tpu.memref_slice %arg8[%add3A, %dma_start3A_37] : memref<32x2720xf32, #tpu.memory_space<hbm>> -> memref<1x2720xf32, #tpu.memory_space<hbm>>
      %dma_start3A_39 = tpu.memref_squeeze %dma_start3A_38 : memref<1x2720xf32, #tpu.memory_space<hbm>> -> memref<2720xf32, #tpu.memory_space<hbm>>
      tpu.enqueue_dma source(%arg15 : memref<2720xf32, #tpu.memory_space<vmem>>) target(%dma_start3A_39 : memref<2720xf32, #tpu.memory_space<hbm>>) target_semaphore(%run_scoped3A : memref<!tpu.dma_semaphore, #tpu.memory_space<semaphore_mem>>)
      %dma_wait3A = arith.constant 0 : i32
      %dma_wait3A_40 = tpu.memref_slice %arg8[%add3A, %dma_wait3A] : memref<32x2720xf32, #tpu.memory_space<hbm>> -> memref<1x2720xf32, #tpu.memory_space<hbm>>
      %dma_wait3A_41 = tpu.memref_squeeze %dma_wait3A_40 : memref<1x2720xf32, #tpu.memory_space<hbm>> -> memref<2720xf32, #tpu.memory_space<hbm>>
      %dma_wait3A_42 = arith.constant 0 : i32
      %dma_wait3A_43 = tpu.memref_slice %arg8[%add3A, %dma_wait3A_42] : memref<32x2720xf32, #tpu.memory_space<hbm>> -> memref<1x2720xf32, #tpu.memory_space<hbm>>
      %dma_wait3A_44 = tpu.memref_squeeze %dma_wait3A_43 : memref<1x2720xf32, #tpu.memory_space<hbm>> -> memref<2720xf32, #tpu.memory_space<hbm>>
      tpu.wait_dma2 semaphore(%run_scoped3A : memref<!tpu.dma_semaphore, #tpu.memory_space<semaphore_mem>>) src(%arg15 : memref<2720xf32, #tpu.memory_space<vmem>>) dst(%dma_wait3A_44 : memref<2720xf32, #tpu.memory_space<hbm>>)
      tpu.yield
    }) : () -> ()
    return
  }
}

#map = affine_map<(d0, d1) -> (0)>
module attributes {stable_mosaic.version = 14 : i64} {
  func.func @s1_scatter_ids(%arg0: i32, %arg1: i32, %arg2: memref<43328xi32, #tpu.memory_space<hbm>>, %arg3: memref<43328xi32, #tpu.memory_space<hbm>>, %arg4: memref<7333264xi32, #tpu.memory_space<hbm>>, %arg5: memref<1360xi32, #tpu.memory_space<vmem>>, %arg6: memref<1360xi32, #tpu.memory_space<vmem>>, %arg7: memref<1360xi32, #tpu.memory_space<vmem>>, %arg8: memref<1360xi32, #tpu.memory_space<vmem>>, %arg9: memref<!tpu.dma_semaphore, #tpu.memory_space<semaphore_mem>>) attributes {dimension_semantics = [#tpu.dimension_semantics<core_parallel>, #tpu.dimension_semantics<subcore_parallel>], iteration_bounds = array<i64: 2, 16>, scalar_prefetch = 0 : i64, scratch_operands = 5 : i64, tpu.core_type = #tpu.core_type<sc_vector_subcore>, window_params = [{transform_indices = #map}, {transform_indices = #map}, {transform_indices = #map}]} {
    %mul3A = arith.constant 2 : i32
    %mul3A_0 = arith.muli %arg1, %mul3A : i32
    %add3A = arith.addi %mul3A_0, %arg0 : i32
    %mul3A_1 = arith.constant 1360 : i32
    %mul3A_2 = arith.muli %add3A, %mul3A_1 : i32
    %min3A = arith.constant 41968 : i32
    %min3A_3 = arith.minsi %mul3A_2, %min3A : i32
    "tpu.region"() ({
      %run_scoped3A = tpu.sem_alloc : memref<!tpu.dma_semaphore, #tpu.memory_space<semaphore_mem>>
      %dma_start3A_11 = tpu.memref_slice %arg2[%min3A_3] : memref<43328xi32, #tpu.memory_space<hbm>> -> memref<1360xi32, #tpu.memory_space<hbm>>
      %dma_start3A_12 = tpu.memref_slice %arg2[%min3A_3] : memref<43328xi32, #tpu.memory_space<hbm>> -> memref<1360xi32, #tpu.memory_space<hbm>>
      tpu.enqueue_dma source(%dma_start3A_12 : memref<1360xi32, #tpu.memory_space<hbm>>) target(%arg5 : memref<1360xi32, #tpu.memory_space<vmem>>) target_semaphore(%run_scoped3A : memref<!tpu.dma_semaphore, #tpu.memory_space<semaphore_mem>>)
      %dma_wait3A_13 = tpu.memref_slice %arg2[%min3A_3] : memref<43328xi32, #tpu.memory_space<hbm>> -> memref<1360xi32, #tpu.memory_space<hbm>>
      %dma_wait3A_14 = tpu.memref_slice %arg2[%min3A_3] : memref<43328xi32, #tpu.memory_space<hbm>> -> memref<1360xi32, #tpu.memory_space<hbm>>
      tpu.wait_dma2 semaphore(%run_scoped3A : memref<!tpu.dma_semaphore, #tpu.memory_space<semaphore_mem>>) src(%dma_wait3A_14 : memref<1360xi32, #tpu.memory_space<hbm>>) dst(%arg5 : memref<1360xi32, #tpu.memory_space<vmem>>)
      tpu.yield
    }) : () -> ()
    "tpu.region"() ({
      %run_scoped3A = tpu.sem_alloc : memref<!tpu.dma_semaphore, #tpu.memory_space<semaphore_mem>>
      %dma_start3A_11 = tpu.memref_slice %arg3[%min3A_3] : memref<43328xi32, #tpu.memory_space<hbm>> -> memref<1360xi32, #tpu.memory_space<hbm>>
      %dma_start3A_12 = tpu.memref_slice %arg3[%min3A_3] : memref<43328xi32, #tpu.memory_space<hbm>> -> memref<1360xi32, #tpu.memory_space<hbm>>
      tpu.enqueue_dma source(%dma_start3A_12 : memref<1360xi32, #tpu.memory_space<hbm>>) target(%arg6 : memref<1360xi32, #tpu.memory_space<vmem>>) target_semaphore(%run_scoped3A : memref<!tpu.dma_semaphore, #tpu.memory_space<semaphore_mem>>)
      %dma_wait3A_13 = tpu.memref_slice %arg3[%min3A_3] : memref<43328xi32, #tpu.memory_space<hbm>> -> memref<1360xi32, #tpu.memory_space<hbm>>
      %dma_wait3A_14 = tpu.memref_slice %arg3[%min3A_3] : memref<43328xi32, #tpu.memory_space<hbm>> -> memref<1360xi32, #tpu.memory_space<hbm>>
      tpu.wait_dma2 semaphore(%run_scoped3A : memref<!tpu.dma_semaphore, #tpu.memory_space<semaphore_mem>>) src(%dma_wait3A_14 : memref<1360xi32, #tpu.memory_space<hbm>>) dst(%arg6 : memref<1360xi32, #tpu.memory_space<vmem>>)
      tpu.yield
    }) : () -> ()
    %scan3A = arith.constant 0 : i32
    %scan3A_4 = arith.constant 0 : i32
    %scan3A_5 = arith.constant 85 : i32
    %scan3A_6 = arith.addi %scan3A_4, %scan3A_5 : i32
    %scan3A_7 = arith.constant 1 : i32
    scf.for %scan3A_11 = %scan3A_4 to %scan3A_6 step %scan3A_7  : i32 {
      %mul3A_12 = arith.constant 16 : i32
      %mul3A_13 = arith.muli %scan3A_11, %mul3A_12 : i32
      %get3A = arith.index_cast %mul3A_13 : i32 to index
      %get3A_14 = tpu.vector_load %arg5[%get3A] {strides = array<i32>} : memref<1360xi32, #tpu.memory_space<vmem>>, vector<16xi32>,
      %mul3A_15 = arith.constant 2708 : i32
      %mul3A_16 = vector.broadcast %mul3A_15 : i32 to vector<16xi32>
      %mul3A_17 = arith.muli %get3A_14, %mul3A_16 : vector<16xi32>
      %get3A_18 = arith.index_cast %mul3A_13 : i32 to index
      %get3A_19 = tpu.vector_load %arg6[%get3A_18] {strides = array<i32>} : memref<1360xi32, #tpu.memory_space<vmem>>, vector<16xi32>,
      %add3A_20 = arith.addi %mul3A_17, %get3A_19 : vector<16xi32>
      %swap3A = arith.index_cast %mul3A_13 : i32 to index
      %swap3A_21 = tpu.vector_load %arg7[%swap3A] {strides = array<i32>} : memref<1360xi32, #tpu.memory_space<vmem>>, vector<16xi32>,
      tpu.vector_store %arg7[%swap3A], %add3A_20 {strides = array<i32>} : memref<1360xi32, #tpu.memory_space<vmem>>, vector<16xi32>,
      %iota3A = tpu.iota {dimensions = array<i32: 0>} : vector<16xi32>
      %mul3A_22 = arith.constant 16 : i32
      %mul3A_23 = arith.muli %scan3A_11, %mul3A_22 : i32
      %add3A_24 = arith.addi %mul3A_2, %mul3A_23 : i32
      %add3A_25 = vector.broadcast %add3A_24 : i32 to vector<16xi32>
      %add3A_26 = arith.addi %iota3A, %add3A_25 : vector<16xi32>
      %swap3A_27 = arith.index_cast %mul3A_13 : i32 to index
      %swap3A_28 = tpu.vector_load %arg8[%swap3A_27] {strides = array<i32>} : memref<1360xi32, #tpu.memory_space<vmem>>, vector<16xi32>,
      tpu.vector_store %arg8[%swap3A_27], %add3A_26 {strides = array<i32>} : memref<1360xi32, #tpu.memory_space<vmem>>, vector<16xi32>,
    }
    %scan3A_8 = arith.constant 85 : i32
    %dma_start3A = arith.constant 0 : i32
    %dma_start3A_9 = tpu.memref_slice %arg4[%dma_start3A] : memref<7333264xi32, #tpu.memory_space<hbm>> -> memref<7333264xi32, #tpu.memory_space<hbm>>
    tpu.enqueue_indirect_dma source(%arg8 : memref<1360xi32, #tpu.memory_space<vmem>>) target(%dma_start3A_9 : memref<7333264xi32, #tpu.memory_space<hbm>>) offsets(%arg7 : memref<1360xi32, #tpu.memory_space<vmem>>) semaphore(%arg9 : memref<!tpu.dma_semaphore, #tpu.memory_space<semaphore_mem>>)
    %dma_wait3A = arith.constant 0 : i32
    %dma_wait3A_10 = tpu.memref_slice %arg4[%dma_wait3A] : memref<7333264xi32, #tpu.memory_space<hbm>> -> memref<7333264xi32, #tpu.memory_space<hbm>>
    tpu.wait_indirect_dma semaphore(%arg9 : memref<!tpu.dma_semaphore, #tpu.memory_space<semaphore_mem>>) src(%arg8 : memref<1360xi32, #tpu.memory_space<vmem>>) dst(%dma_wait3A_10 : memref<7333264xi32, #tpu.memory_space<hbm>>)
    return
  }
}

#map = affine_map<(d0, d1) -> (0)>
#map1 = affine_map<(d0, d1) -> (0, 0)>
module attributes {stable_mosaic.version = 14 : i64} {
  func.func @s2_denoms(%arg0: i32, %arg1: i32, %arg2: memref<43328xi32, #tpu.memory_space<hbm>>, %arg3: memref<43328xi32, #tpu.memory_space<hbm>>, %arg4: memref<2720xf32, #tpu.memory_space<hbm>>, %arg5: memref<2720xf32, #tpu.memory_space<hbm>>, %arg6: memref<128xf32, #tpu.memory_space<hbm>>, %arg7: memref<7333264xi32, #tpu.memory_space<hbm>>, %arg8: memref<32x2720xf32, #tpu.memory_space<hbm>>, %arg9: memref<43520xf32, #tpu.memory_space<hbm>>, %arg10: memref<1360xi32, #tpu.memory_space<vmem>>, %arg11: memref<1360xi32, #tpu.memory_space<vmem>>, %arg12: memref<1360xi32, #tpu.memory_space<vmem>>, %arg13: memref<1360xi32, #tpu.memory_space<vmem>>, %arg14: memref<2720xf32, #tpu.memory_space<vmem>>, %arg15: memref<2720xf32, #tpu.memory_space<vmem>>, %arg16: memref<128xf32, #tpu.memory_space<vmem>>, %arg17: memref<2720xf32, #tpu.memory_space<vmem>>, %arg18: memref<1360xf32, #tpu.memory_space<vmem>>, %arg19: memref<!tpu.dma_semaphore, #tpu.memory_space<semaphore_mem>>) attributes {dimension_semantics = [#tpu.dimension_semantics<core_parallel>, #tpu.dimension_semantics<subcore_parallel>], iteration_bounds = array<i64: 2, 16>, scalar_prefetch = 0 : i64, scratch_operands = 10 : i64, tpu.core_type = #tpu.core_type<sc_vector_subcore>, window_params = [{transform_indices = #map}, {transform_indices = #map}, {transform_indices = #map}, {transform_indices = #map}, {transform_indices = #map}, {transform_indices = #map}, {transform_indices = #map1}, {transform_indices = #map}]} {
    %mul3A = arith.constant 2 : i32
    %mul3A_0 = arith.muli %arg1, %mul3A : i32
    %add3A = arith.addi %mul3A_0, %arg0 : i32
    %mul3A_1 = arith.constant 1360 : i32
    %mul3A_2 = arith.muli %add3A, %mul3A_1 : i32
    %min3A = arith.constant 41968 : i32
    %min3A_3 = arith.minsi %mul3A_2, %min3A : i32
    "tpu.region"() ({
      %run_scoped3A = tpu.sem_alloc : memref<!tpu.dma_semaphore, #tpu.memory_space<semaphore_mem>>
      %dma_start3A_52 = tpu.memref_slice %arg2[%min3A_3] : memref<43328xi32, #tpu.memory_space<hbm>> -> memref<1360xi32, #tpu.memory_space<hbm>>
      %dma_start3A_53 = tpu.memref_slice %arg2[%min3A_3] : memref<43328xi32, #tpu.memory_space<hbm>> -> memref<1360xi32, #tpu.memory_space<hbm>>
      tpu.enqueue_dma source(%dma_start3A_53 : memref<1360xi32, #tpu.memory_space<hbm>>) target(%arg10 : memref<1360xi32, #tpu.memory_space<vmem>>) target_semaphore(%run_scoped3A : memref<!tpu.dma_semaphore, #tpu.memory_space<semaphore_mem>>)
      %dma_wait3A_54 = tpu.memref_slice %arg2[%min3A_3] : memref<43328xi32, #tpu.memory_space<hbm>> -> memref<1360xi32, #tpu.memory_space<hbm>>
      %dma_wait3A_55 = tpu.memref_slice %arg2[%min3A_3] : memref<43328xi32, #tpu.memory_space<hbm>> -> memref<1360xi32, #tpu.memory_space<hbm>>
      tpu.wait_dma2 semaphore(%run_scoped3A : memref<!tpu.dma_semaphore, #tpu.memory_space<semaphore_mem>>) src(%dma_wait3A_55 : memref<1360xi32, #tpu.memory_space<hbm>>) dst(%arg10 : memref<1360xi32, #tpu.memory_space<vmem>>)
      tpu.yield
    }) : () -> ()
    "tpu.region"() ({
      %run_scoped3A = tpu.sem_alloc : memref<!tpu.dma_semaphore, #tpu.memory_space<semaphore_mem>>
      %dma_start3A_52 = tpu.memref_slice %arg3[%min3A_3] : memref<43328xi32, #tpu.memory_space<hbm>> -> memref<1360xi32, #tpu.memory_space<hbm>>
      %dma_start3A_53 = tpu.memref_slice %arg3[%min3A_3] : memref<43328xi32, #tpu.memory_space<hbm>> -> memref<1360xi32, #tpu.memory_space<hbm>>
      tpu.enqueue_dma source(%dma_start3A_53 : memref<1360xi32, #tpu.memory_space<hbm>>) target(%arg11 : memref<1360xi32, #tpu.memory_space<vmem>>) target_semaphore(%run_scoped3A : memref<!tpu.dma_semaphore, #tpu.memory_space<semaphore_mem>>)
      %dma_wait3A_54 = tpu.memref_slice %arg3[%min3A_3] : memref<43328xi32, #tpu.memory_space<hbm>> -> memref<1360xi32, #tpu.memory_space<hbm>>
      %dma_wait3A_55 = tpu.memref_slice %arg3[%min3A_3] : memref<43328xi32, #tpu.memory_space<hbm>> -> memref<1360xi32, #tpu.memory_space<hbm>>
      tpu.wait_dma2 semaphore(%run_scoped3A : memref<!tpu.dma_semaphore, #tpu.memory_space<semaphore_mem>>) src(%dma_wait3A_55 : memref<1360xi32, #tpu.memory_space<hbm>>) dst(%arg11 : memref<1360xi32, #tpu.memory_space<vmem>>)
      tpu.yield
    }) : () -> ()
    %scan3A = arith.constant 0 : i32
    %scan3A_4 = arith.constant 0 : i32
    %scan3A_5 = arith.constant 84 : i32
    %scan3A_6 = arith.addi %scan3A_4, %scan3A_5 : i32
    %scan3A_7 = arith.constant 4 : i32
    scf.for %scan3A_52 = %scan3A_4 to %scan3A_6 step %scan3A_7  : i32 {
      %mul3A_53 = arith.constant 16 : i32
      %mul3A_54 = arith.muli %scan3A_52, %mul3A_53 : i32
      %get3A_55 = arith.index_cast %mul3A_54 : i32 to index
      %get3A_56 = tpu.vector_load %arg10[%get3A_55] {strides = array<i32>} : memref<1360xi32, #tpu.memory_space<vmem>>, vector<16xi32>,
      %mul3A_57 = arith.constant 2708 : i32
      %mul3A_58 = vector.broadcast %mul3A_57 : i32 to vector<16xi32>
      %mul3A_59 = arith.muli %get3A_56, %mul3A_58 : vector<16xi32>
      %get3A_60 = arith.index_cast %mul3A_54 : i32 to index
      %get3A_61 = tpu.vector_load %arg11[%get3A_60] {strides = array<i32>} : memref<1360xi32, #tpu.memory_space<vmem>>, vector<16xi32>,
      %add3A_62 = arith.addi %mul3A_59, %get3A_61 : vector<16xi32>
      %swap3A_63 = arith.index_cast %mul3A_54 : i32 to index
      %swap3A_64 = tpu.vector_load %arg12[%swap3A_63] {strides = array<i32>} : memref<1360xi32, #tpu.memory_space<vmem>>, vector<16xi32>,
      tpu.vector_store %arg12[%swap3A_63], %add3A_62 {strides = array<i32>} : memref<1360xi32, #tpu.memory_space<vmem>>, vector<16xi32>,
      %scan3A_65 = arith.constant 1 : i32
      %scan3A_66 = arith.addi %scan3A_52, %scan3A_65 : i32
      %mul3A_67 = arith.constant 16 : i32
      %mul3A_68 = arith.muli %scan3A_66, %mul3A_67 : i32
      %get3A_69 = arith.index_cast %mul3A_68 : i32 to index
      %get3A_70 = tpu.vector_load %arg10[%get3A_69] {strides = array<i32>} : memref<1360xi32, #tpu.memory_space<vmem>>, vector<16xi32>,
      %mul3A_71 = arith.constant 2708 : i32
      %mul3A_72 = vector.broadcast %mul3A_71 : i32 to vector<16xi32>
      %mul3A_73 = arith.muli %get3A_70, %mul3A_72 : vector<16xi32>
      %get3A_74 = arith.index_cast %mul3A_68 : i32 to index
      %get3A_75 = tpu.vector_load %arg11[%get3A_74] {strides = array<i32>} : memref<1360xi32, #tpu.memory_space<vmem>>, vector<16xi32>,
      %add3A_76 = arith.addi %mul3A_73, %get3A_75 : vector<16xi32>
      %swap3A_77 = arith.index_cast %mul3A_68 : i32 to index
      %swap3A_78 = tpu.vector_load %arg12[%swap3A_77] {strides = array<i32>} : memref<1360xi32, #tpu.memory_space<vmem>>, vector<16xi32>,
      tpu.vector_store %arg12[%swap3A_77], %add3A_76 {strides = array<i32>} : memref<1360xi32, #tpu.memory_space<vmem>>, vector<16xi32>,
      %scan3A_79 = arith.constant 2 : i32
      %scan3A_80 = arith.addi %scan3A_52, %scan3A_79 : i32
      %mul3A_81 = arith.constant 16 : i32
      %mul3A_82 = arith.muli %scan3A_80, %mul3A_81 : i32
      %get3A_83 = arith.index_cast %mul3A_82 : i32 to index
      %get3A_84 = tpu.vector_load %arg10[%get3A_83] {strides = array<i32>} : memref<1360xi32, #tpu.memory_space<vmem>>, vector<16xi32>,
      %mul3A_85 = arith.constant 2708 : i32
      %mul3A_86 = vector.broadcast %mul3A_85 : i32 to vector<16xi32>
      %mul3A_87 = arith.muli %get3A_84, %mul3A_86 : vector<16xi32>
      %get3A_88 = arith.index_cast %mul3A_82 : i32 to index
      %get3A_89 = tpu.vector_load %arg11[%get3A_88] {strides = array<i32>} : memref<1360xi32, #tpu.memory_space<vmem>>, vector<16xi32>,
      %add3A_90 = arith.addi %mul3A_87, %get3A_89 : vector<16xi32>
      %swap3A_91 = arith.index_cast %mul3A_82 : i32 to index
      %swap3A_92 = tpu.vector_load %arg12[%swap3A_91] {strides = array<i32>} : memref<1360xi32, #tpu.memory_space<vmem>>, vector<16xi32>,
      tpu.vector_store %arg12[%swap3A_91], %add3A_90 {strides = array<i32>} : memref<1360xi32, #tpu.memory_space<vmem>>, vector<16xi32>,
      %scan3A_93 = arith.constant 3 : i32
      %scan3A_94 = arith.addi %scan3A_52, %scan3A_93 : i32
      %mul3A_95 = arith.constant 16 : i32
      %mul3A_96 = arith.muli %scan3A_94, %mul3A_95 : i32
      %get3A_97 = arith.index_cast %mul3A_96 : i32 to index
      %get3A_98 = tpu.vector_load %arg10[%get3A_97] {strides = array<i32>} : memref<1360xi32, #tpu.memory_space<vmem>>, vector<16xi32>,
      %mul3A_99 = arith.constant 2708 : i32
      %mul3A_100 = vector.broadcast %mul3A_99 : i32 to vector<16xi32>
      %mul3A_101 = arith.muli %get3A_98, %mul3A_100 : vector<16xi32>
      %get3A_102 = arith.index_cast %mul3A_96 : i32 to index
      %get3A_103 = tpu.vector_load %arg11[%get3A_102] {strides = array<i32>} : memref<1360xi32, #tpu.memory_space<vmem>>, vector<16xi32>,
      %add3A_104 = arith.addi %mul3A_101, %get3A_103 : vector<16xi32>
      %swap3A_105 = arith.index_cast %mul3A_96 : i32 to index
      %swap3A_106 = tpu.vector_load %arg12[%swap3A_105] {strides = array<i32>} : memref<1360xi32, #tpu.memory_space<vmem>>, vector<16xi32>,
      tpu.vector_store %arg12[%swap3A_105], %add3A_104 {strides = array<i32>} : memref<1360xi32, #tpu.memory_space<vmem>>, vector<16xi32>,
    }
    %scan3A_8 = arith.constant 84 : i32
    %scan3A_9 = arith.addi %scan3A_4, %scan3A_8 : i32
    %mul3A_10 = arith.constant 16 : i32
    %mul3A_11 = arith.muli %scan3A_9, %mul3A_10 : i32
    %get3A = arith.index_cast %mul3A_11 : i32 to index
    %get3A_12 = tpu.vector_load %arg10[%get3A] {strides = array<i32>} : memref<1360xi32, #tpu.memory_space<vmem>>, vector<16xi32>,
    %mul3A_13 = arith.constant 2708 : i32
    %mul3A_14 = vector.broadcast %mul3A_13 : i32 to vector<16xi32>
    %mul3A_15 = arith.muli %get3A_12, %mul3A_14 : vector<16xi32>
    %get3A_16 = arith.index_cast %mul3A_11 : i32 to index
    %get3A_17 = tpu.vector_load %arg11[%get3A_16] {strides = array<i32>} : memref<1360xi32, #tpu.memory_space<vmem>>, vector<16xi32>,
    %add3A_18 = arith.addi %mul3A_15, %get3A_17 : vector<16xi32>
    %swap3A = arith.index_cast %mul3A_11 : i32 to index
    %swap3A_19 = tpu.vector_load %arg12[%swap3A] {strides = array<i32>} : memref<1360xi32, #tpu.memory_space<vmem>>, vector<16xi32>,
    tpu.vector_store %arg12[%swap3A], %add3A_18 {strides = array<i32>} : memref<1360xi32, #tpu.memory_space<vmem>>, vector<16xi32>,
    %scan3A_20 = arith.constant 85 : i32
    %dma_start3A = arith.constant 0 : i32
    %dma_start3A_21 = tpu.memref_slice %arg7[%dma_start3A] : memref<7333264xi32, #tpu.memory_space<hbm>> -> memref<7333264xi32, #tpu.memory_space<hbm>>
    tpu.enqueue_indirect_dma source(%dma_start3A_21 : memref<7333264xi32, #tpu.memory_space<hbm>>) target(%arg13 : memref<1360xi32, #tpu.memory_space<vmem>>) offsets(%arg12 : memref<1360xi32, #tpu.memory_space<vmem>>) semaphore(%arg19 : memref<!tpu.dma_semaphore, #tpu.memory_space<semaphore_mem>>)
    "tpu.region"() ({
      %run_scoped3A = tpu.sem_alloc : memref<!tpu.dma_semaphore, #tpu.memory_space<semaphore_mem>>
      tpu.enqueue_dma source(%arg4 : memref<2720xf32, #tpu.memory_space<hbm>>) target(%arg14 : memref<2720xf32, #tpu.memory_space<vmem>>) target_semaphore(%run_scoped3A : memref<!tpu.dma_semaphore, #tpu.memory_space<semaphore_mem>>)
      tpu.wait_dma2 semaphore(%run_scoped3A : memref<!tpu.dma_semaphore, #tpu.memory_space<semaphore_mem>>) src(%arg4 : memref<2720xf32, #tpu.memory_space<hbm>>) dst(%arg14 : memref<2720xf32, #tpu.memory_space<vmem>>)
      tpu.yield
    }) : () -> ()
    "tpu.region"() ({
      %run_scoped3A = tpu.sem_alloc : memref<!tpu.dma_semaphore, #tpu.memory_space<semaphore_mem>>
      tpu.enqueue_dma source(%arg5 : memref<2720xf32, #tpu.memory_space<hbm>>) target(%arg15 : memref<2720xf32, #tpu.memory_space<vmem>>) target_semaphore(%run_scoped3A : memref<!tpu.dma_semaphore, #tpu.memory_space<semaphore_mem>>)
      tpu.wait_dma2 semaphore(%run_scoped3A : memref<!tpu.dma_semaphore, #tpu.memory_space<semaphore_mem>>) src(%arg5 : memref<2720xf32, #tpu.memory_space<hbm>>) dst(%arg15 : memref<2720xf32, #tpu.memory_space<vmem>>)
      tpu.yield
    }) : () -> ()
    "tpu.region"() ({
      %run_scoped3A = tpu.sem_alloc : memref<!tpu.dma_semaphore, #tpu.memory_space<semaphore_mem>>
      tpu.enqueue_dma source(%arg6 : memref<128xf32, #tpu.memory_space<hbm>>) target(%arg16 : memref<128xf32, #tpu.memory_space<vmem>>) target_semaphore(%run_scoped3A : memref<!tpu.dma_semaphore, #tpu.memory_space<semaphore_mem>>)
      tpu.wait_dma2 semaphore(%run_scoped3A : memref<!tpu.dma_semaphore, #tpu.memory_space<semaphore_mem>>) src(%arg6 : memref<128xf32, #tpu.memory_space<hbm>>) dst(%arg16 : memref<128xf32, #tpu.memory_space<vmem>>)
      tpu.yield
    }) : () -> ()
    %get3A_22 = arith.constant 0 : index
    %get3A_23 = tpu.vector_load %arg16[%get3A_22] {strides = array<i32>} : memref<128xf32, #tpu.memory_space<vmem>>, vector<16xf32>,
    %scan3A_24 = arith.constant 0 : i32
    %scan3A_25 = arith.constant 0 : i32
    %scan3A_26 = arith.constant 168 : i32
    %scan3A_27 = arith.addi %scan3A_25, %scan3A_26 : i32
    %scan3A_28 = arith.constant 4 : i32
    scf.for %scan3A_52 = %scan3A_25 to %scan3A_27 step %scan3A_28  : i32 {
      %broadcast_in_dim3A_53 = arith.constant 0.000000e+00 : f32
      %broadcast_in_dim3A_54 = vector.broadcast %broadcast_in_dim3A_53 : f32 to vector<16xf32>
      %mul3A_55 = arith.constant 16 : i32
      %mul3A_56 = arith.muli %scan3A_52, %mul3A_55 : i32
      %swap3A_57 = arith.index_cast %mul3A_56 : i32 to index
      %swap3A_58 = tpu.vector_load %arg17[%swap3A_57] {strides = array<i32>} : memref<2720xf32, #tpu.memory_space<vmem>>, vector<16xf32>,
      tpu.vector_store %arg17[%swap3A_57], %broadcast_in_dim3A_54 {strides = array<i32>} : memref<2720xf32, #tpu.memory_space<vmem>>, vector<16xf32>,
      %scan3A_59 = arith.constant 1 : i32
      %scan3A_60 = arith.addi %scan3A_52, %scan3A_59 : i32
      %broadcast_in_dim3A_61 = arith.constant 0.000000e+00 : f32
      %broadcast_in_dim3A_62 = vector.broadcast %broadcast_in_dim3A_61 : f32 to vector<16xf32>
      %mul3A_63 = arith.constant 16 : i32
      %mul3A_64 = arith.muli %scan3A_60, %mul3A_63 : i32
      %swap3A_65 = arith.index_cast %mul3A_64 : i32 to index
      %swap3A_66 = tpu.vector_load %arg17[%swap3A_65] {strides = array<i32>} : memref<2720xf32, #tpu.memory_space<vmem>>, vector<16xf32>,
      tpu.vector_store %arg17[%swap3A_65], %broadcast_in_dim3A_62 {strides = array<i32>} : memref<2720xf32, #tpu.memory_space<vmem>>, vector<16xf32>,
      %scan3A_67 = arith.constant 2 : i32
      %scan3A_68 = arith.addi %scan3A_52, %scan3A_67 : i32
      %broadcast_in_dim3A_69 = arith.constant 0.000000e+00 : f32
      %broadcast_in_dim3A_70 = vector.broadcast %broadcast_in_dim3A_69 : f32 to vector<16xf32>
      %mul3A_71 = arith.constant 16 : i32
      %mul3A_72 = arith.muli %scan3A_68, %mul3A_71 : i32
      %swap3A_73 = arith.index_cast %mul3A_72 : i32 to index
      %swap3A_74 = tpu.vector_load %arg17[%swap3A_73] {strides = array<i32>} : memref<2720xf32, #tpu.memory_space<vmem>>, vector<16xf32>,
      tpu.vector_store %arg17[%swap3A_73], %broadcast_in_dim3A_70 {strides = array<i32>} : memref<2720xf32, #tpu.memory_space<vmem>>, vector<16xf32>,
      %scan3A_75 = arith.constant 3 : i32
      %scan3A_76 = arith.addi %scan3A_52, %scan3A_75 : i32
      %broadcast_in_dim3A_77 = arith.constant 0.000000e+00 : f32
      %broadcast_in_dim3A_78 = vector.broadcast %broadcast_in_dim3A_77 : f32 to vector<16xf32>
      %mul3A_79 = arith.constant 16 : i32
      %mul3A_80 = arith.muli %scan3A_76, %mul3A_79 : i32
      %swap3A_81 = arith.index_cast %mul3A_80 : i32 to index
      %swap3A_82 = tpu.vector_load %arg17[%swap3A_81] {strides = array<i32>} : memref<2720xf32, #tpu.memory_space<vmem>>, vector<16xf32>,
      tpu.vector_store %arg17[%swap3A_81], %broadcast_in_dim3A_78 {strides = array<i32>} : memref<2720xf32, #tpu.memory_space<vmem>>, vector<16xf32>,
    }
    %scan3A_29 = arith.constant 168 : i32
    %scan3A_30 = arith.addi %scan3A_25, %scan3A_29 : i32
    %broadcast_in_dim3A = arith.constant 0.000000e+00 : f32
    %broadcast_in_dim3A_31 = vector.broadcast %broadcast_in_dim3A : f32 to vector<16xf32>
    %mul3A_32 = arith.constant 16 : i32
    %mul3A_33 = arith.muli %scan3A_30, %mul3A_32 : i32
    %swap3A_34 = arith.index_cast %mul3A_33 : i32 to index
    %swap3A_35 = tpu.vector_load %arg17[%swap3A_34] {strides = array<i32>} : memref<2720xf32, #tpu.memory_space<vmem>>, vector<16xf32>,
    tpu.vector_store %arg17[%swap3A_34], %broadcast_in_dim3A_31 {strides = array<i32>} : memref<2720xf32, #tpu.memory_space<vmem>>, vector<16xf32>,
    %scan3A_36 = arith.constant 169 : i32
    %scan3A_37 = arith.addi %scan3A_25, %scan3A_36 : i32
    %broadcast_in_dim3A_38 = arith.constant 0.000000e+00 : f32
    %broadcast_in_dim3A_39 = vector.broadcast %broadcast_in_dim3A_38 : f32 to vector<16xf32>
    %mul3A_40 = arith.constant 16 : i32
    %mul3A_41 = arith.muli %scan3A_37, %mul3A_40 : i32
    %swap3A_42 = arith.index_cast %mul3A_41 : i32 to index
    %swap3A_43 = tpu.vector_load %arg17[%swap3A_42] {strides = array<i32>} : memref<2720xf32, #tpu.memory_space<vmem>>, vector<16xf32>,
    tpu.vector_store %arg17[%swap3A_42], %broadcast_in_dim3A_39 {strides = array<i32>} : memref<2720xf32, #tpu.memory_space<vmem>>, vector<16xf32>,
    %scan3A_44 = arith.constant 170 : i32
    %dma_wait3A = arith.constant 0 : i32
    %dma_wait3A_45 = tpu.memref_slice %arg7[%dma_wait3A] : memref<7333264xi32, #tpu.memory_space<hbm>> -> memref<7333264xi32, #tpu.memory_space<hbm>>
    tpu.wait_indirect_dma semaphore(%arg19 : memref<!tpu.dma_semaphore, #tpu.memory_space<semaphore_mem>>) src(%dma_wait3A_45 : memref<7333264xi32, #tpu.memory_space<hbm>>) dst(%arg13 : memref<1360xi32, #tpu.memory_space<vmem>>)
    %scan3A_46 = arith.constant 0 : i32
    %scan3A_47 = arith.constant 0 : i32
    %scan3A_48 = arith.constant 85 : i32
    %scan3A_49 = arith.addi %scan3A_47, %scan3A_48 : i32
    %scan3A_50 = arith.constant 1 : i32
    scf.for %scan3A_52 = %scan3A_47 to %scan3A_49 step %scan3A_50  : i32 {
      %mul3A_53 = arith.constant 16 : i32
      %mul3A_54 = arith.muli %scan3A_52, %mul3A_53 : i32
      %get3A_55 = arith.index_cast %mul3A_54 : i32 to index
      %get3A_56 = tpu.vector_load %arg10[%get3A_55] {strides = array<i32>} : memref<1360xi32, #tpu.memory_space<vmem>>, vector<16xi32>,
      %iota3A = tpu.iota {dimensions = array<i32: 0>} : vector<16xi32>
      %mul3A_57 = arith.constant 16 : i32
      %mul3A_58 = arith.muli %scan3A_52, %mul3A_57 : i32
      %add3A_59 = arith.addi %mul3A_2, %mul3A_58 : i32
      %add3A_60 = vector.broadcast %add3A_59 : i32 to vector<16xi32>
      %add3A_61 = arith.addi %iota3A, %add3A_60 : vector<16xi32>
      %gather3A = tpu.vector_load_idx %arg14[%get3A_56] : memref<2720xf32, #tpu.memory_space<vmem>>[vector<16xi32>], vector<16xf32>,
      %get3A_62 = arith.index_cast %mul3A_54 : i32 to index
      %get3A_63 = tpu.vector_load %arg11[%get3A_62] {strides = array<i32>} : memref<1360xi32, #tpu.memory_space<vmem>>, vector<16xi32>,
      %gather3A_64 = tpu.vector_load_idx %arg15[%get3A_63] : memref<2720xf32, #tpu.memory_space<vmem>>[vector<16xi32>], vector<16xf32>,
      %add3A_65 = arith.addf %gather3A, %gather3A_64 : vector<16xf32>
      %gt3A = arith.constant 0.000000e+00 : f32
      %gt3A_66 = vector.broadcast %gt3A : f32 to vector<16xf32>
      %gt3A_67 = arith.cmpf ogt, %add3A_65, %gt3A_66 : vector<16xf32>
      %mul3A_68 = arith.constant 2.000000e-01 : f32
      %mul3A_69 = vector.broadcast %mul3A_68 : f32 to vector<16xf32>
      %mul3A_70 = arith.mulf %mul3A_69, %add3A_65 : vector<16xf32>
      %select_n3A = arith.select %gt3A_67, %add3A_65, %mul3A_70 : vector<16xi1>, vector<16xf32>
      %add3A_71 = arith.addf %gather3A, %get3A_23 : vector<16xf32>
      %gt3A_72 = arith.constant 0.000000e+00 : f32
      %gt3A_73 = vector.broadcast %gt3A_72 : f32 to vector<16xf32>
      %gt3A_74 = arith.cmpf ogt, %add3A_71, %gt3A_73 : vector<16xf32>
      %mul3A_75 = arith.constant 2.000000e-01 : f32
      %mul3A_76 = vector.broadcast %mul3A_75 : f32 to vector<16xf32>
      %mul3A_77 = arith.mulf %mul3A_76, %add3A_71 : vector<16xf32>
      %select_n3A_78 = arith.select %gt3A_74, %add3A_71, %mul3A_77 : vector<16xi1>, vector<16xf32>
      %get3A_79 = arith.index_cast %mul3A_54 : i32 to index
      %get3A_80 = tpu.vector_load %arg13[%get3A_79] {strides = array<i32>} : memref<1360xi32, #tpu.memory_space<vmem>>, vector<16xi32>,
      %eq3A = arith.cmpi eq, %get3A_80, %add3A_61 : vector<16xi32>
      %jit3A = arith.constant 1.000000e+00 : f32
      %jit3A_81 = arith.constant 0.000000e+00 : f32
      %broadcast_in_dim3A_82 = vector.broadcast %jit3A : f32 to vector<16xf32>
      %broadcast_in_dim3A_83 = vector.broadcast %jit3A_81 : f32 to vector<16xf32>
      %select_n3A_84 = arith.select %eq3A, %broadcast_in_dim3A_82, %broadcast_in_dim3A_83 : vector<16xi1>, vector<16xf32>
      %sub3A = arith.subf %select_n3A, %select_n3A_78 : vector<16xf32>
      %exp3A = math.exp %sub3A : vector<16xf32>
      %mul3A_85 = arith.mulf %select_n3A_84, %exp3A : vector<16xf32>
      tpu.vector_store_idx %arg17[%get3A_56], %mul3A_85 {add = true} : memref<2720xf32, #tpu.memory_space<vmem>>[vector<16xi32>], vector<16xf32>,
      %get3A_86 = arith.index_cast %mul3A_54 : i32 to index
      %get3A_87 = tpu.vector_load %arg12[%get3A_86] {strides = array<i32>} : memref<1360xi32, #tpu.memory_space<vmem>>, vector<16xi32>,
      %broadcast_in_dim3A_88 = arith.constant 0 : i32
      %broadcast_in_dim3A_89 = vector.broadcast %broadcast_in_dim3A_88 : i32 to vector<16xi32>
      %add3A_90 = arith.constant 1234 : i32
      %add3A_91 = vector.broadcast %add3A_90 : i32 to vector<16xi32>
      %add3A_92 = arith.addi %get3A_87, %add3A_91 : vector<16xi32>
      %add3A_93 = arith.addi %broadcast_in_dim3A_89, %add3A_92 : vector<16xi32>
      %shift_left3A = arith.constant 13 : i32
      %shift_left3A_94 = vector.broadcast %shift_left3A : i32 to vector<16xi32>
      %shift_left3A_95 = arith.shli %add3A_92, %shift_left3A_94 : vector<16xi32>
      %shift_right_logical3A = arith.constant 19 : i32
      %shift_right_logical3A_96 = vector.broadcast %shift_right_logical3A : i32 to vector<16xi32>
      %shift_right_logical3A_97 = arith.shrui %add3A_92, %shift_right_logical3A_96 : vector<16xi32>
      %or3A = arith.ori %shift_left3A_95, %shift_right_logical3A_97 : vector<16xi32>
      %xor3A = arith.xori %add3A_93, %or3A : vector<16xi32>
      %add3A_98 = arith.addi %add3A_93, %xor3A : vector<16xi32>
      %shift_left3A_99 = arith.constant 15 : i32
      %shift_left3A_100 = vector.broadcast %shift_left3A_99 : i32 to vector<16xi32>
      %shift_left3A_101 = arith.shli %xor3A, %shift_left3A_100 : vector<16xi32>
      %shift_right_logical3A_102 = arith.constant 17 : i32
      %shift_right_logical3A_103 = vector.broadcast %shift_right_logical3A_102 : i32 to vector<16xi32>
      %shift_right_logical3A_104 = arith.shrui %xor3A, %shift_right_logical3A_103 : vector<16xi32>
      %or3A_105 = arith.ori %shift_left3A_101, %shift_right_logical3A_104 : vector<16xi32>
      %xor3A_106 = arith.xori %add3A_98, %or3A_105 : vector<16xi32>
      %add3A_107 = arith.addi %add3A_98, %xor3A_106 : vector<16xi32>
      %shift_left3A_108 = arith.constant 26 : i32
      %shift_left3A_109 = vector.broadcast %shift_left3A_108 : i32 to vector<16xi32>
      %shift_left3A_110 = arith.shli %xor3A_106, %shift_left3A_109 : vector<16xi32>
      %shift_right_logical3A_111 = arith.constant 6 : i32
      %shift_right_logical3A_112 = vector.broadcast %shift_right_logical3A_111 : i32 to vector<16xi32>
      %shift_right_logical3A_113 = arith.shrui %xor3A_106, %shift_right_logical3A_112 : vector<16xi32>
      %or3A_114 = arith.ori %shift_left3A_110, %shift_right_logical3A_113 : vector<16xi32>
      %xor3A_115 = arith.xori %add3A_107, %or3A_114 : vector<16xi32>
      %add3A_116 = arith.addi %add3A_107, %xor3A_115 : vector<16xi32>
      %shift_left3A_117 = arith.constant 6 : i32
      %shift_left3A_118 = vector.broadcast %shift_left3A_117 : i32 to vector<16xi32>
      %shift_left3A_119 = arith.shli %xor3A_115, %shift_left3A_118 : vector<16xi32>
      %shift_right_logical3A_120 = arith.constant 26 : i32
      %shift_right_logical3A_121 = vector.broadcast %shift_right_logical3A_120 : i32 to vector<16xi32>
      %shift_right_logical3A_122 = arith.shrui %xor3A_115, %shift_right_logical3A_121 : vector<16xi32>
      %or3A_123 = arith.ori %shift_left3A_119, %shift_right_logical3A_122 : vector<16xi32>
      %xor3A_124 = arith.xori %add3A_116, %or3A_123 : vector<16xi32>
      %add3A_125 = arith.constant 1234 : i32
      %add3A_126 = vector.broadcast %add3A_125 : i32 to vector<16xi32>
      %add3A_127 = arith.addi %add3A_116, %add3A_126 : vector<16xi32>
      %add3A_128 = arith.constant 466689801 : i32
      %add3A_129 = vector.broadcast %add3A_128 : i32 to vector<16xi32>
      %add3A_130 = arith.addi %xor3A_124, %add3A_129 : vector<16xi32>
      %add3A_131 = arith.addi %add3A_127, %add3A_130 : vector<16xi32>
      %shift_left3A_132 = arith.constant 17 : i32
      %shift_left3A_133 = vector.broadcast %shift_left3A_132 : i32 to vector<16xi32>
      %shift_left3A_134 = arith.shli %add3A_130, %shift_left3A_133 : vector<16xi32>
      %shift_right_logical3A_135 = arith.constant 15 : i32
      %shift_right_logical3A_136 = vector.broadcast %shift_right_logical3A_135 : i32 to vector<16xi32>
      %shift_right_logical3A_137 = arith.shrui %add3A_130, %shift_right_logical3A_136 : vector<16xi32>
      %or3A_138 = arith.ori %shift_left3A_134, %shift_right_logical3A_137 : vector<16xi32>
      %xor3A_139 = arith.xori %add3A_131, %or3A_138 : vector<16xi32>
      %add3A_140 = arith.addi %add3A_131, %xor3A_139 : vector<16xi32>
      %shift_left3A_141 = arith.constant 29 : i32
      %shift_left3A_142 = vector.broadcast %shift_left3A_141 : i32 to vector<16xi32>
      %shift_left3A_143 = arith.shli %xor3A_139, %shift_left3A_142 : vector<16xi32>
      %shift_right_logical3A_144 = arith.constant 3 : i32
      %shift_right_logical3A_145 = vector.broadcast %shift_right_logical3A_144 : i32 to vector<16xi32>
      %shift_right_logical3A_146 = arith.shrui %xor3A_139, %shift_right_logical3A_145 : vector<16xi32>
      %or3A_147 = arith.ori %shift_left3A_143, %shift_right_logical3A_146 : vector<16xi32>
      %xor3A_148 = arith.xori %add3A_140, %or3A_147 : vector<16xi32>
      %add3A_149 = arith.addi %add3A_140, %xor3A_148 : vector<16xi32>
      %shift_left3A_150 = arith.constant 16 : i32
      %shift_left3A_151 = vector.broadcast %shift_left3A_150 : i32 to vector<16xi32>
      %shift_left3A_152 = arith.shli %xor3A_148, %shift_left3A_151 : vector<16xi32>
      %shift_right_logical3A_153 = arith.constant 16 : i32
      %shift_right_logical3A_154 = vector.broadcast %shift_right_logical3A_153 : i32 to vector<16xi32>
      %shift_right_logical3A_155 = arith.shrui %xor3A_148, %shift_right_logical3A_154 : vector<16xi32>
      %or3A_156 = arith.ori %shift_left3A_152, %shift_right_logical3A_155 : vector<16xi32>
      %xor3A_157 = arith.xori %add3A_149, %or3A_156 : vector<16xi32>
      %add3A_158 = arith.addi %add3A_149, %xor3A_157 : vector<16xi32>
      %shift_left3A_159 = arith.constant 24 : i32
      %shift_left3A_160 = vector.broadcast %shift_left3A_159 : i32 to vector<16xi32>
      %shift_left3A_161 = arith.shli %xor3A_157, %shift_left3A_160 : vector<16xi32>
      %shift_right_logical3A_162 = arith.constant 8 : i32
      %shift_right_logical3A_163 = vector.broadcast %shift_right_logical3A_162 : i32 to vector<16xi32>
      %shift_right_logical3A_164 = arith.shrui %xor3A_157, %shift_right_logical3A_163 : vector<16xi32>
      %or3A_165 = arith.ori %shift_left3A_161, %shift_right_logical3A_164 : vector<16xi32>
      %xor3A_166 = arith.xori %add3A_158, %or3A_165 : vector<16xi32>
      %add3A_167 = arith.constant 466689800 : i32
      %add3A_168 = vector.broadcast %add3A_167 : i32 to vector<16xi32>
      %add3A_169 = arith.addi %add3A_158, %add3A_168 : vector<16xi32>
      %add3A_170 = arith.constant 2 : i32
      %add3A_171 = vector.broadcast %add3A_170 : i32 to vector<16xi32>
      %add3A_172 = arith.addi %xor3A_166, %add3A_171 : vector<16xi32>
      %add3A_173 = arith.addi %add3A_169, %add3A_172 : vector<16xi32>
      %shift_left3A_174 = arith.constant 13 : i32
      %shift_left3A_175 = vector.broadcast %shift_left3A_174 : i32 to vector<16xi32>
      %shift_left3A_176 = arith.shli %add3A_172, %shift_left3A_175 : vector<16xi32>
      %shift_right_logical3A_177 = arith.constant 19 : i32
      %shift_right_logical3A_178 = vector.broadcast %shift_right_logical3A_177 : i32 to vector<16xi32>
      %shift_right_logical3A_179 = arith.shrui %add3A_172, %shift_right_logical3A_178 : vector<16xi32>
      %or3A_180 = arith.ori %shift_left3A_176, %shift_right_logical3A_179 : vector<16xi32>
      %xor3A_181 = arith.xori %add3A_173, %or3A_180 : vector<16xi32>
      %add3A_182 = arith.addi %add3A_173, %xor3A_181 : vector<16xi32>
      %shift_left3A_183 = arith.constant 15 : i32
      %shift_left3A_184 = vector.broadcast %shift_left3A_183 : i32 to vector<16xi32>
      %shift_left3A_185 = arith.shli %xor3A_181, %shift_left3A_184 : vector<16xi32>
      %shift_right_logical3A_186 = arith.constant 17 : i32
      %shift_right_logical3A_187 = vector.broadcast %shift_right_logical3A_186 : i32 to vector<16xi32>
      %shift_right_logical3A_188 = arith.shrui %xor3A_181, %shift_right_logical3A_187 : vector<16xi32>
      %or3A_189 = arith.ori %shift_left3A_185, %shift_right_logical3A_188 : vector<16xi32>
      %xor3A_190 = arith.xori %add3A_182, %or3A_189 : vector<16xi32>
      %add3A_191 = arith.addi %add3A_182, %xor3A_190 : vector<16xi32>
      %shift_left3A_192 = arith.constant 26 : i32
      %shift_left3A_193 = vector.broadcast %shift_left3A_192 : i32 to vector<16xi32>
      %shift_left3A_194 = arith.shli %xor3A_190, %shift_left3A_193 : vector<16xi32>
      %shift_right_logical3A_195 = arith.constant 6 : i32
      %shift_right_logical3A_196 = vector.broadcast %shift_right_logical3A_195 : i32 to vector<16xi32>
      %shift_right_logical3A_197 = arith.shrui %xor3A_190, %shift_right_logical3A_196 : vector<16xi32>
      %or3A_198 = arith.ori %shift_left3A_194, %shift_right_logical3A_197 : vector<16xi32>
      %xor3A_199 = arith.xori %add3A_191, %or3A_198 : vector<16xi32>
      %add3A_200 = arith.addi %add3A_191, %xor3A_199 : vector<16xi32>
      %shift_left3A_201 = arith.constant 6 : i32
      %shift_left3A_202 = vector.broadcast %shift_left3A_201 : i32 to vector<16xi32>
      %shift_left3A_203 = arith.shli %xor3A_199, %shift_left3A_202 : vector<16xi32>
      %shift_right_logical3A_204 = arith.constant 26 : i32
      %shift_right_logical3A_205 = vector.broadcast %shift_right_logical3A_204 : i32 to vector<16xi32>
      %shift_right_logical3A_206 = arith.shrui %xor3A_199, %shift_right_logical3A_205 : vector<16xi32>
      %or3A_207 = arith.ori %shift_left3A_203, %shift_right_logical3A_206 : vector<16xi32>
      %xor3A_208 = arith.xori %add3A_200, %or3A_207 : vector<16xi32>
      %add3A_209 = arith.constant 0 : i32
      %add3A_210 = vector.broadcast %add3A_209 : i32 to vector<16xi32>
      %add3A_211 = arith.addi %add3A_200, %add3A_210 : vector<16xi32>
      %add3A_212 = arith.constant 1237 : i32
      %add3A_213 = vector.broadcast %add3A_212 : i32 to vector<16xi32>
      %add3A_214 = arith.addi %xor3A_208, %add3A_213 : vector<16xi32>
      %add3A_215 = arith.addi %add3A_211, %add3A_214 : vector<16xi32>
      %shift_left3A_216 = arith.constant 17 : i32
      %shift_left3A_217 = vector.broadcast %shift_left3A_216 : i32 to vector<16xi32>
      %shift_left3A_218 = arith.shli %add3A_214, %shift_left3A_217 : vector<16xi32>
      %shift_right_logical3A_219 = arith.constant 15 : i32
      %shift_right_logical3A_220 = vector.broadcast %shift_right_logical3A_219 : i32 to vector<16xi32>
      %shift_right_logical3A_221 = arith.shrui %add3A_214, %shift_right_logical3A_220 : vector<16xi32>
      %or3A_222 = arith.ori %shift_left3A_218, %shift_right_logical3A_221 : vector<16xi32>
      %xor3A_223 = arith.xori %add3A_215, %or3A_222 : vector<16xi32>
      %add3A_224 = arith.addi %add3A_215, %xor3A_223 : vector<16xi32>
      %shift_left3A_225 = arith.constant 29 : i32
      %shift_left3A_226 = vector.broadcast %shift_left3A_225 : i32 to vector<16xi32>
      %shift_left3A_227 = arith.shli %xor3A_223, %shift_left3A_226 : vector<16xi32>
      %shift_right_logical3A_228 = arith.constant 3 : i32
      %shift_right_logical3A_229 = vector.broadcast %shift_right_logical3A_228 : i32 to vector<16xi32>
      %shift_right_logical3A_230 = arith.shrui %xor3A_223, %shift_right_logical3A_229 : vector<16xi32>
      %or3A_231 = arith.ori %shift_left3A_227, %shift_right_logical3A_230 : vector<16xi32>
      %xor3A_232 = arith.xori %add3A_224, %or3A_231 : vector<16xi32>
      %add3A_233 = arith.addi %add3A_224, %xor3A_232 : vector<16xi32>
      %shift_left3A_234 = arith.constant 16 : i32
      %shift_left3A_235 = vector.broadcast %shift_left3A_234 : i32 to vector<16xi32>
      %shift_left3A_236 = arith.shli %xor3A_232, %shift_left3A_235 : vector<16xi32>
      %shift_right_logical3A_237 = arith.constant 16 : i32
      %shift_right_logical3A_238 = vector.broadcast %shift_right_logical3A_237 : i32 to vector<16xi32>
      %shift_right_logical3A_239 = arith.shrui %xor3A_232, %shift_right_logical3A_238 : vector<16xi32>
      %or3A_240 = arith.ori %shift_left3A_236, %shift_right_logical3A_239 : vector<16xi32>
      %xor3A_241 = arith.xori %add3A_233, %or3A_240 : vector<16xi32>
      %add3A_242 = arith.addi %add3A_233, %xor3A_241 : vector<16xi32>
      %shift_left3A_243 = arith.constant 24 : i32
      %shift_left3A_244 = vector.broadcast %shift_left3A_243 : i32 to vector<16xi32>
      %shift_left3A_245 = arith.shli %xor3A_241, %shift_left3A_244 : vector<16xi32>
      %shift_right_logical3A_246 = arith.constant 8 : i32
      %shift_right_logical3A_247 = vector.broadcast %shift_right_logical3A_246 : i32 to vector<16xi32>
      %shift_right_logical3A_248 = arith.shrui %xor3A_241, %shift_right_logical3A_247 : vector<16xi32>
      %or3A_249 = arith.ori %shift_left3A_245, %shift_right_logical3A_248 : vector<16xi32>
      %xor3A_250 = arith.xori %add3A_242, %or3A_249 : vector<16xi32>
      %add3A_251 = arith.constant 1234 : i32
      %add3A_252 = vector.broadcast %add3A_251 : i32 to vector<16xi32>
      %add3A_253 = arith.addi %add3A_242, %add3A_252 : vector<16xi32>
      %add3A_254 = arith.constant 466689804 : i32
      %add3A_255 = vector.broadcast %add3A_254 : i32 to vector<16xi32>
      %add3A_256 = arith.addi %xor3A_250, %add3A_255 : vector<16xi32>
      %add3A_257 = arith.addi %add3A_253, %add3A_256 : vector<16xi32>
      %shift_left3A_258 = arith.constant 13 : i32
      %shift_left3A_259 = vector.broadcast %shift_left3A_258 : i32 to vector<16xi32>
      %shift_left3A_260 = arith.shli %add3A_256, %shift_left3A_259 : vector<16xi32>
      %shift_right_logical3A_261 = arith.constant 19 : i32
      %shift_right_logical3A_262 = vector.broadcast %shift_right_logical3A_261 : i32 to vector<16xi32>
      %shift_right_logical3A_263 = arith.shrui %add3A_256, %shift_right_logical3A_262 : vector<16xi32>
      %or3A_264 = arith.ori %shift_left3A_260, %shift_right_logical3A_263 : vector<16xi32>
      %xor3A_265 = arith.xori %add3A_257, %or3A_264 : vector<16xi32>
      %add3A_266 = arith.addi %add3A_257, %xor3A_265 : vector<16xi32>
      %shift_left3A_267 = arith.constant 15 : i32
      %shift_left3A_268 = vector.broadcast %shift_left3A_267 : i32 to vector<16xi32>
      %shift_left3A_269 = arith.shli %xor3A_265, %shift_left3A_268 : vector<16xi32>
      %shift_right_logical3A_270 = arith.constant 17 : i32
      %shift_right_logical3A_271 = vector.broadcast %shift_right_logical3A_270 : i32 to vector<16xi32>
      %shift_right_logical3A_272 = arith.shrui %xor3A_265, %shift_right_logical3A_271 : vector<16xi32>
      %or3A_273 = arith.ori %shift_left3A_269, %shift_right_logical3A_272 : vector<16xi32>
      %xor3A_274 = arith.xori %add3A_266, %or3A_273 : vector<16xi32>
      %add3A_275 = arith.addi %add3A_266, %xor3A_274 : vector<16xi32>
      %shift_left3A_276 = arith.constant 26 : i32
      %shift_left3A_277 = vector.broadcast %shift_left3A_276 : i32 to vector<16xi32>
      %shift_left3A_278 = arith.shli %xor3A_274, %shift_left3A_277 : vector<16xi32>
      %shift_right_logical3A_279 = arith.constant 6 : i32
      %shift_right_logical3A_280 = vector.broadcast %shift_right_logical3A_279 : i32 to vector<16xi32>
      %shift_right_logical3A_281 = arith.shrui %xor3A_274, %shift_right_logical3A_280 : vector<16xi32>
      %or3A_282 = arith.ori %shift_left3A_278, %shift_right_logical3A_281 : vector<16xi32>
      %xor3A_283 = arith.xori %add3A_275, %or3A_282 : vector<16xi32>
      %add3A_284 = arith.addi %add3A_275, %xor3A_283 : vector<16xi32>
      %shift_left3A_285 = arith.constant 6 : i32
      %shift_left3A_286 = vector.broadcast %shift_left3A_285 : i32 to vector<16xi32>
      %shift_left3A_287 = arith.shli %xor3A_283, %shift_left3A_286 : vector<16xi32>
      %shift_right_logical3A_288 = arith.constant 26 : i32
      %shift_right_logical3A_289 = vector.broadcast %shift_right_logical3A_288 : i32 to vector<16xi32>
      %shift_right_logical3A_290 = arith.shrui %xor3A_283, %shift_right_logical3A_289 : vector<16xi32>
      %or3A_291 = arith.ori %shift_left3A_287, %shift_right_logical3A_290 : vector<16xi32>
      %xor3A_292 = arith.xori %add3A_284, %or3A_291 : vector<16xi32>
      %add3A_293 = arith.constant 466689800 : i32
      %add3A_294 = vector.broadcast %add3A_293 : i32 to vector<16xi32>
      %add3A_295 = arith.addi %add3A_284, %add3A_294 : vector<16xi32>
      %add3A_296 = arith.constant 5 : i32
      %add3A_297 = vector.broadcast %add3A_296 : i32 to vector<16xi32>
      %add3A_298 = arith.addi %xor3A_292, %add3A_297 : vector<16xi32>
      %xor3A_299 = arith.xori %add3A_295, %add3A_298 : vector<16xi32>
      %shift_right_logical3A_300 = arith.constant 9 : i32
      %shift_right_logical3A_301 = vector.broadcast %shift_right_logical3A_300 : i32 to vector<16xi32>
      %shift_right_logical3A_302 = arith.shrui %xor3A_299, %shift_right_logical3A_301 : vector<16xi32>
      %or3A_303 = arith.constant 1065353216 : i32
      %or3A_304 = vector.broadcast %or3A_303 : i32 to vector<16xi32>
      %or3A_305 = arith.ori %shift_right_logical3A_302, %or3A_304 : vector<16xi32>
      %bitcast3A = vector.bitcast %or3A_305 : vector<16xi32> to vector<16xf32>
      %sub3A_306 = arith.constant 1.000000e+00 : f32
      %sub3A_307 = vector.broadcast %sub3A_306 : f32 to vector<16xf32>
      %sub3A_308 = arith.subf %bitcast3A, %sub3A_307 : vector<16xf32>
      %lt3A = arith.constant 0.899999976 : f32
      %lt3A_309 = vector.broadcast %lt3A : f32 to vector<16xf32>
      %lt3A_310 = arith.cmpf olt, %sub3A_308, %lt3A_309 : vector<16xf32>
      %jit3A_311 = arith.constant 1.11111116 : f32
      %jit3A_312 = arith.constant 0.000000e+00 : f32
      %broadcast_in_dim3A_313 = vector.broadcast %jit3A_311 : f32 to vector<16xf32>
      %broadcast_in_dim3A_314 = vector.broadcast %jit3A_312 : f32 to vector<16xf32>
      %select_n3A_315 = arith.select %lt3A_310, %broadcast_in_dim3A_313, %broadcast_in_dim3A_314 : vector<16xi1>, vector<16xf32>
      %mul3A_316 = arith.mulf %mul3A_85, %select_n3A_315 : vector<16xf32>
      %swap3A_317 = arith.index_cast %mul3A_54 : i32 to index
      %swap3A_318 = tpu.vector_load %arg18[%swap3A_317] {strides = array<i32>} : memref<1360xf32, #tpu.memory_space<vmem>>, vector<16xf32>,
      tpu.vector_store %arg18[%swap3A_317], %mul3A_316 {strides = array<i32>} : memref<1360xf32, #tpu.memory_space<vmem>>, vector<16xf32>,
    }
    %scan3A_51 = arith.constant 85 : i32
    "tpu.region"() ({
      %run_scoped3A = tpu.sem_alloc : memref<!tpu.dma_semaphore, #tpu.memory_space<semaphore_mem>>
      %dma_start3A_52 = arith.constant 0 : i32
      %dma_start3A_53 = tpu.memref_slice %arg8[%add3A, %dma_start3A_52] : memref<32x2720xf32, #tpu.memory_space<hbm>> -> memref<1x2720xf32, #tpu.memory_space<hbm>>
      %dma_start3A_54 = tpu.memref_squeeze %dma_start3A_53 : memref<1x2720xf32, #tpu.memory_space<hbm>> -> memref<2720xf32, #tpu.memory_space<hbm>>
      %dma_start3A_55 = arith.constant 0 : i32
      %dma_start3A_56 = tpu.memref_slice %arg8[%add3A, %dma_start3A_55] : memref<32x2720xf32, #tpu.memory_space<hbm>> -> memref<1x2720xf32, #tpu.memory_space<hbm>>
      %dma_start3A_57 = tpu.memref_squeeze %dma_start3A_56 : memref<1x2720xf32, #tpu.memory_space<hbm>> -> memref<2720xf32, #tpu.memory_space<hbm>>
      tpu.enqueue_dma source(%arg17 : memref<2720xf32, #tpu.memory_space<vmem>>) target(%dma_start3A_57 : memref<2720xf32, #tpu.memory_space<hbm>>) target_semaphore(%run_scoped3A : memref<!tpu.dma_semaphore, #tpu.memory_space<semaphore_mem>>)
      %dma_wait3A_58 = arith.constant 0 : i32
      %dma_wait3A_59 = tpu.memref_slice %arg8[%add3A, %dma_wait3A_58] : memref<32x2720xf32, #tpu.memory_space<hbm>> -> memref<1x2720xf32, #tpu.memory_space<hbm>>
      %dma_wait3A_60 = tpu.memref_squeeze %dma_wait3A_59 : memref<1x2720xf32, #tpu.memory_space<hbm>> -> memref<2720xf32, #tpu.memory_space<hbm>>
      %dma_wait3A_61 = arith.constant 0 : i32
      %dma_wait3A_62 = tpu.memref_slice %arg8[%add3A, %dma_wait3A_61] : memref<32x2720xf32, #tpu.memory_space<hbm>> -> memref<1x2720xf32, #tpu.memory_space<hbm>>
      %dma_wait3A_63 = tpu.memref_squeeze %dma_wait3A_62 : memref<1x2720xf32, #tpu.memory_space<hbm>> -> memref<2720xf32, #tpu.memory_space<hbm>>
      tpu.wait_dma2 semaphore(%run_scoped3A : memref<!tpu.dma_semaphore, #tpu.memory_space<semaphore_mem>>) src(%arg17 : memref<2720xf32, #tpu.memory_space<vmem>>) dst(%dma_wait3A_63 : memref<2720xf32, #tpu.memory_space<hbm>>)
      tpu.yield
    }) : () -> ()
    "tpu.region"() ({
      %run_scoped3A = tpu.sem_alloc : memref<!tpu.dma_semaphore, #tpu.memory_space<semaphore_mem>>
      %dma_start3A_52 = tpu.memref_slice %arg9[%mul3A_2] : memref<43520xf32, #tpu.memory_space<hbm>> -> memref<1360xf32, #tpu.memory_space<hbm>>
      %dma_start3A_53 = tpu.memref_slice %arg9[%mul3A_2] : memref<43520xf32, #tpu.memory_space<hbm>> -> memref<1360xf32, #tpu.memory_space<hbm>>
      tpu.enqueue_dma source(%arg18 : memref<1360xf32, #tpu.memory_space<vmem>>) target(%dma_start3A_53 : memref<1360xf32, #tpu.memory_space<hbm>>) target_semaphore(%run_scoped3A : memref<!tpu.dma_semaphore, #tpu.memory_space<semaphore_mem>>)
      %dma_wait3A_54 = tpu.memref_slice %arg9[%mul3A_2] : memref<43520xf32, #tpu.memory_space<hbm>> -> memref<1360xf32, #tpu.memory_space<hbm>>
      %dma_wait3A_55 = tpu.memref_slice %arg9[%mul3A_2] : memref<43520xf32, #tpu.memory_space<hbm>> -> memref<1360xf32, #tpu.memory_space<hbm>>
      tpu.wait_dma2 semaphore(%run_scoped3A : memref<!tpu.dma_semaphore, #tpu.memory_space<semaphore_mem>>) src(%arg18 : memref<1360xf32, #tpu.memory_space<vmem>>) dst(%dma_wait3A_55 : memref<1360xf32, #tpu.memory_space<hbm>>)
      tpu.yield
    }) : () -> ()
    return
  }
}

module attributes {stable_mosaic.version = 14 : i64} {
  func.func @_tcr_body(%arg0: memref<32x2720xf32, #tpu.memory_space<vmem>>, %arg1: memref<2720xf32, #tpu.memory_space<vmem>>) attributes {dimension_semantics = [], scalar_prefetch = 0 : i64, scratch_operands = 0 : i64, tpu.core_type = #tpu.core_type<tc>} {
    %get3A = arith.constant 0 : index
    %get3A_0 = arith.constant 0 : index
    %get3A_1 = vector.load %arg0[%get3A, %get3A_0] : memref<32x2720xf32, #tpu.memory_space<vmem>>, vector<32x2720xf32>
    %reduce_sum3A = arith.constant dense<0.000000e+00> : vector<2720xf32>
    %reduce_sum3A_2 = vector.multi_reduction <add>, %get3A_1, %reduce_sum3A [0] : vector<32x2720xf32> to vector<2720xf32>
    %swap3A = arith.constant 0 : index
    %swap3A_3 = vector.load %arg1[%swap3A] : memref<2720xf32, #tpu.memory_space<vmem>>, vector<2720xf32>
    tpu.vector_store %arg1[%swap3A], %reduce_sum3A_2 {strides = array<i32>} : memref<2720xf32, #tpu.memory_space<vmem>>, vector<2720xf32>,
    return
  }
}

module attributes {stable_mosaic.version = 14 : i64} {
  func.func @_tca_body(%arg0: memref<2708x128xf32, #tpu.memory_space<vmem>>, %arg1: memref<128x128xf32, #tpu.memory_space<vmem>>, %arg2: memref<128x1xf32, #tpu.memory_space<vmem>>, %arg3: memref<128x1xf32, #tpu.memory_space<vmem>>, %arg4: memref<2720x1xf32, #tpu.memory_space<vmem>>, %arg5: memref<2720x1xf32, #tpu.memory_space<vmem>>, %arg6: memref<128xf32, #tpu.memory_space<vmem>>) attributes {dimension_semantics = [], scalar_prefetch = 0 : i64, scratch_operands = 0 : i64, tpu.core_type = #tpu.core_type<tc>} {
    %get3A = arith.constant 0 : index
    %get3A_0 = arith.constant 0 : index
    %get3A_1 = vector.load %arg0[%get3A, %get3A_0] : memref<2708x128xf32, #tpu.memory_space<vmem>>, vector<2708x128xf32>
    %get3A_2 = arith.constant 0 : index
    %get3A_3 = arith.constant 0 : index
    %get3A_4 = vector.load %arg1[%get3A_2, %get3A_3] : memref<128x128xf32, #tpu.memory_space<vmem>>, vector<128x128xf32>
    %get3A_5 = arith.constant 0 : index
    %get3A_6 = arith.constant 0 : index
    %get3A_7 = vector.load %arg2[%get3A_5, %get3A_6] : memref<128x1xf32, #tpu.memory_space<vmem>>, vector<128x1xf32>
    %dot_general3A = arith.constant dense<0.000000e+00> : vector<128x1xf32>
    %dot_general3A_8 = tpu.matmul %get3A_4, %get3A_7, %dot_general3A {dimension_numbers = #tpu.dot_dimension_numbers<[1], [0], [0], [1], [0, 0, 1, 1], [], []>, transpose_lhs_hint = false} : vector<128x128xf32>, vector<128x1xf32>, vector<128x1xf32> -> vector<128x1xf32>
    %get3A_9 = arith.constant 0 : index
    %get3A_10 = arith.constant 0 : index
    %get3A_11 = vector.load %arg1[%get3A_9, %get3A_10] : memref<128x128xf32, #tpu.memory_space<vmem>>, vector<128x128xf32>
    %get3A_12 = arith.constant 0 : index
    %get3A_13 = arith.constant 0 : index
    %get3A_14 = vector.load %arg3[%get3A_12, %get3A_13] : memref<128x1xf32, #tpu.memory_space<vmem>>, vector<128x1xf32>
    %dot_general3A_15 = arith.constant dense<0.000000e+00> : vector<128x1xf32>
    %dot_general3A_16 = tpu.matmul %get3A_11, %get3A_14, %dot_general3A_15 {dimension_numbers = #tpu.dot_dimension_numbers<[1], [0], [0], [1], [0, 0, 1, 1], [], []>, transpose_lhs_hint = false} : vector<128x128xf32>, vector<128x1xf32>, vector<128x1xf32> -> vector<128x1xf32>
    %dot_general3A_17 = arith.constant dense<0.000000e+00> : vector<2708x1xf32>
    %dot_general3A_18 = tpu.matmul %get3A_1, %dot_general3A_8, %dot_general3A_17 {dimension_numbers = #tpu.dot_dimension_numbers<[1], [0], [0], [1], [0, 0, 1, 1], [], []>, transpose_lhs_hint = false} : vector<2708x128xf32>, vector<128x1xf32>, vector<2708x1xf32> -> vector<2708x1xf32>
    %dot_general3A_19 = arith.constant dense<0.000000e+00> : vector<2708x1xf32>
    %dot_general3A_20 = tpu.matmul %get3A_1, %dot_general3A_16, %dot_general3A_19 {dimension_numbers = #tpu.dot_dimension_numbers<[1], [0], [0], [1], [0, 0, 1, 1], [], []>, transpose_lhs_hint = false} : vector<2708x128xf32>, vector<128x1xf32>, vector<2708x1xf32> -> vector<2708x1xf32>
    %swap3A = arith.constant 0 : index
    %swap3A_21 = arith.constant 0 : index
    %swap3A_22 = vector.load %arg4[%swap3A, %swap3A_21] : memref<2720x1xf32, #tpu.memory_space<vmem>>, vector<2708x1xf32>
    tpu.vector_store %arg4[%swap3A, %swap3A_21], %dot_general3A_18 {strides = array<i32>} : memref<2720x1xf32, #tpu.memory_space<vmem>>, vector<2708x1xf32>,
    %swap3A_23 = arith.constant 0 : index
    %swap3A_24 = arith.constant 0 : index
    %swap3A_25 = vector.load %arg5[%swap3A_23, %swap3A_24] : memref<2720x1xf32, #tpu.memory_space<vmem>>, vector<2708x1xf32>
    tpu.vector_store %arg5[%swap3A_23, %swap3A_24], %dot_general3A_20 {strides = array<i32>} : memref<2720x1xf32, #tpu.memory_space<vmem>>, vector<2708x1xf32>,
    %reduce_max3A = vector.shape_cast %dot_general3A_20 : vector<2708x1xf32> to vector<1x2708x1xf32>
    %reduce_max3A_26 = arith.constant dense<0xFF800000> : vector<1xf32>
    %reduce_max3A_27 = vector.multi_reduction <maximumf>, %reduce_max3A, %reduce_max3A_26 [1, 2] : vector<1x2708x1xf32> to vector<1xf32>
    %reduce_max3A_28 = vector.shape_cast %reduce_max3A_27 : vector<1xf32> to vector<1x1x1xf32>
    %reduce_max3A_29 = vector.extract %reduce_max3A_28[0, 0, 0] : f32 from vector<1x1x1xf32>
    %broadcast_in_dim3A = vector.broadcast %reduce_max3A_29 : f32 to vector<128xf32>
    %swap3A_30 = arith.constant 0 : index
    %swap3A_31 = vector.load %arg6[%swap3A_30] : memref<128xf32, #tpu.memory_space<vmem>>, vector<128xf32>
    tpu.vector_store %arg6[%swap3A_30], %broadcast_in_dim3A {strides = array<i32>} : memref<128xf32, #tpu.memory_space<vmem>>, vector<128xf32>,
    return
  }
}

module attributes {stable_mosaic.version = 14 : i64} {
  func.func @_tcs_body(%arg0: memref<32x2720xf32, #tpu.memory_space<vmem>>, %arg1: memref<32x2720xf32, #tpu.memory_space<vmem>>, %arg2: memref<32x2720xf32, #tpu.memory_space<vmem>>, %arg3: memref<2720xf32, #tpu.memory_space<vmem>>) attributes {dimension_semantics = [], scalar_prefetch = 0 : i64, scratch_operands = 0 : i64, tpu.core_type = #tpu.core_type<tc>} {
    %get3A = arith.constant 0 : index
    %get3A_0 = arith.constant 0 : index
    %get3A_1 = vector.load %arg0[%get3A, %get3A_0] : memref<32x2720xf32, #tpu.memory_space<vmem>>, vector<32x2720xf32>
    %reduce_sum3A = arith.constant dense<0.000000e+00> : vector<2720xf32>
    %reduce_sum3A_2 = vector.multi_reduction <add>, %get3A_1, %reduce_sum3A [0] : vector<32x2720xf32> to vector<2720xf32>
    %get3A_3 = arith.constant 0 : index
    %get3A_4 = arith.constant 0 : index
    %get3A_5 = vector.load %arg1[%get3A_3, %get3A_4] : memref<32x2720xf32, #tpu.memory_space<vmem>>, vector<32x2720xf32>
    %reduce_sum3A_6 = arith.constant dense<0.000000e+00> : vector<2720xf32>
    %reduce_sum3A_7 = vector.multi_reduction <add>, %get3A_5, %reduce_sum3A_6 [0] : vector<32x2720xf32> to vector<2720xf32>
    %get3A_8 = arith.constant 0 : index
    %get3A_9 = arith.constant 0 : index
    %get3A_10 = vector.load %arg2[%get3A_8, %get3A_9] : memref<32x2720xf32, #tpu.memory_space<vmem>>, vector<32x2720xf32>
    %reduce_sum3A_11 = arith.constant dense<0.000000e+00> : vector<2720xf32>
    %reduce_sum3A_12 = vector.multi_reduction <add>, %get3A_10, %reduce_sum3A_11 [0] : vector<32x2720xf32> to vector<2720xf32>
    %add3A = arith.constant 1.000000e+00 : f32
    %add3A_13 = vector.broadcast %add3A : f32 to vector<2720xf32>
    %add3A_14 = arith.addf %reduce_sum3A_12, %add3A_13 : vector<2720xf32>
    %add3A_15 = arith.addf %reduce_sum3A_2, %reduce_sum3A_7 : vector<2720xf32>
    %mul3A = arith.constant 5.000000e-01 : f32
    %mul3A_16 = vector.broadcast %mul3A : f32 to vector<2720xf32>
    %mul3A_17 = arith.mulf %mul3A_16, %add3A_15 : vector<2720xf32>
    %add3A_18 = arith.constant 1.000000e+00 : f32
    %add3A_19 = vector.broadcast %add3A_18 : f32 to vector<2720xf32>
    %add3A_20 = arith.addf %add3A_19, %mul3A_17 : vector<2720xf32>
    %div3A = arith.divf %add3A_14, %add3A_20 : vector<2720xf32>
    %swap3A = arith.constant 0 : index
    %swap3A_21 = vector.load %arg3[%swap3A] : memref<2720xf32, #tpu.memory_space<vmem>>, vector<2720xf32>
    tpu.vector_store %arg3[%swap3A], %div3A {strides = array<i32>} : memref<2720xf32, #tpu.memory_space<vmem>>, vector<2720xf32>,
    return
  }
}

module attributes {stable_mosaic.version = 14 : i64} {
  func.func @_tcf_body(%arg0: memref<2708x128xf32, #tpu.memory_space<vmem>>, %arg1: memref<128x128xf32, #tpu.memory_space<vmem>>, %arg2: memref<2720x1xf32, #tpu.memory_space<vmem>>, %arg3: memref<2708x128xf32, #tpu.memory_space<vmem>>) attributes {dimension_semantics = [], scalar_prefetch = 0 : i64, scratch_operands = 0 : i64, tpu.core_type = #tpu.core_type<tc>} {
    %get3A = arith.constant 0 : index
    %get3A_0 = arith.constant 0 : index
    %get3A_1 = vector.load %arg0[%get3A, %get3A_0] : memref<2708x128xf32, #tpu.memory_space<vmem>>, vector<2708x128xf32>
    %get3A_2 = arith.constant 0 : index
    %get3A_3 = arith.constant 0 : index
    %get3A_4 = vector.load %arg1[%get3A_2, %get3A_3] : memref<128x128xf32, #tpu.memory_space<vmem>>, vector<128x128xf32>
    %dot_general3A = arith.constant dense<0.000000e+00> : vector<2708x128xf32>
    %dot_general3A_5 = tpu.matmul %get3A_1, %get3A_4, %dot_general3A {dimension_numbers = #tpu.dot_dimension_numbers<[1], [0], [0], [1], [0, 0, 1, 1], [], []>, transpose_lhs_hint = false} : vector<2708x128xf32>, vector<128x128xf32>, vector<2708x128xf32> -> vector<2708x128xf32>
    %get3A_6 = arith.constant 0 : index
    %get3A_7 = arith.constant 0 : index
    %get3A_8 = vector.load %arg2[%get3A_6, %get3A_7] : memref<2720x1xf32, #tpu.memory_space<vmem>>, vector<2708x1xf32>
    %mul3A = vector.broadcast %get3A_8 : vector<2708x1xf32> to vector<2708x128xf32>
    %mul3A_9 = arith.mulf %dot_general3A_5, %mul3A : vector<2708x128xf32>
    %max3A = arith.constant 0.000000e+00 : f32
    %max3A_10 = vector.broadcast %max3A : f32 to vector<2708x128xf32>
    %max3A_11 = arith.maximumf %mul3A_9, %max3A_10 : vector<2708x128xf32>
    %swap3A = arith.constant 0 : index
    %swap3A_12 = arith.constant 0 : index
    %swap3A_13 = vector.load %arg3[%swap3A, %swap3A_12] : memref<2708x128xf32, #tpu.memory_space<vmem>>, vector<2708x128xf32>
    tpu.vector_store %arg3[%swap3A, %swap3A_12], %max3A_11 {strides = array<i32>} : memref<2708x128xf32, #tpu.memory_space<vmem>>, vector<2708x128xf32>,
    return
  }
}

</mosaic_0001>

<sc_bundles>
// kernel: kernel.12.cloned.1.call-start
scs
__scs_entry_jumppad:
0x0: {  	(pc) =	sbr.rel $0x88, $3  }
0x1: {  	(tag) =	ssettag $0x0;
	lr =	simm.s32 $0x1  }
0x2: {  	[smem:$0x3F9B] =	sst lr;
	_ =	strace $0xD0000000  }
0x3: {  	_ = 	snop  }
0x4: {  	_ = 	snop  }
0x5: {  	_ = 	snop  }
0x6: {  	_ = 	snop  }
0x7: {  	_ = 	snop  }
__scs_overlays_trampoline_lowered:
0x8: {  	[smem:$0x3FAA] =	sst s0  }
0x9: {  	[smem:$0x3FAB] =	sst s1  }
0xa: {  	[smem:$0x3FAC] =	sst s2  }
0xb: {  	[smem:$0x3FAD] =	sst s3  }
0xc: {  	[smem:$0x3FAE] =	sst s4  }
0xd: {  	[smem:$0x3FAF] =	sst s5  }
0xe: {  	[smem:$0x3FB0] =	sst s6  }
0xf: {  	[smem:$0x3FB1] =	sst s7  }
0x10: {  	[smem:$0x3FB2] =	sst s8  }
0x11: {  	[smem:$0x3FB3] =	sst s9;
	s0 =	simm.s32 @!p0 $0x0  }
0x12: {  	s1 =	sld [smem:$0x3F99];
	s0 =	simm.s32 @p0 $0x1  }
0x13: {  	[smem:$0x3FB4] =	sst s0;
	s0 =	simm.s32 @!p1 $0x0  }
0x14: {  	s2 =	sld [smem:$0x3F98];
	s0 =	simm.s32 @p1 $0x1  }
0x15: {  	[smem:$0x3FB5] =	sst s0;
	s0 =	simm.s32 @!p2 $0x0  }
0x16: {  	s3 =	sld [smem:$0x3FDB];
	s0 =	simm.s32 @p2 $0x1  }
0x17: {  	s4 =	simm.s32 $0x1BF5;
	[smem:$0x3FB7] =	sst s0  }
0x18: {  	s0 =	sld [smem:$0x3F9A];
	_ =	swait.ge [sflag:s4], $0x0  }
0x19: {  	s7 =	sld [smem:$0x3F9B]  }
0x1a: {  	s8 =	sadd.s32 $0xFFFFE003, lr  }
0x1b: {  	s9 =	sadd.s32 $0xFFFFFEF7, lr;
	s5 =	simm.s32 $0xFFFFFFFF;
	p2 =	slt.u32 s8, $0xFFFFF086  }
0x1c: {  	p1 =	slt.u32 s9, $0xF7A;
	s5 =	simm.s32 @!p2 $0x0  }
0x1d: {  	s5 =	simm.s32 @p1 $0x1;
	p0 =	seq.s32 s7, s2  }
0x1e: {  	s7 =	smul.u32 @!p0 $0xF7A, s2;
	p2 =	seq.s32 @!p0 s5, $0x0  }
0x1f: {  	s9 =	smul.u32 $0xF7A, s1;
	s8 =	simm.s32 @!p0 $0x1BF5;
	p2 =	por !p2, p0  }
0x20: {  	[sflag:s8] =	ssyncset.s32 @!p0 $0xFFFFF086;
	s6 =	sadd.s32 @!p0 s3, s7;
	s7 =	simm.s32 @!p0 $0x108  }
0x21: {  	s3 =	sadd.s32 s3, s9;
	s6 =	sadd.s32 @!p0 $0x88, s6;
	s7 =	simm.s32 @p2 $0x1082  }
0x22: {  	[simem:s7], [sflag:s8] =	dma.local @!p0 [hbm:s6], $0xF7A  }
0x23: {  	s9 =	sor.u32 $0xD0000000, s2;
	s6 =	simm.s32 $0x108;
	_ =	swait.ge @!p0 [sflag:s8], $0x0  }
0x24: {  	s3 =	sadd.s32 $0x88, s3;
	s6 =	simm.s32 @!p1 $0x1082;
	[sflag:s4] =	ssyncset.s32 $0xFFFFF086  }
0x25: {  	[simem:s6], [sflag:s4] =	dma.local [hbm:s3], $0xF7A  }
0x26: {  	[smem:$0x3F9B] =	sst s1;
	(tag) =	ssettag s2;
	_ =	strace s9  }
0x27: {  	s1 =	sld [smem:$0x3FAB]  }
0x28: {  	s2 =	sld [smem:$0x3FAC]  }
0x29: {  	s4 =	sld [smem:$0x3FAE]  }
0x2a: {  	p0 =	seq.s32 s5, $0x0;
	s5 =	sld [smem:$0x3FAF]  }
0x2b: {  	s6 =	sld [smem:$0x3FB0]  }
0x2c: {  	s7 =	sld [smem:$0x3FB1]  }
0x2d: {  	s3 =	simm.s32 $0x108;
	s8 =	sld [smem:$0x3FB2]  }
0x2e: {  	s3 =	simm.s32 @!p0 $0x1082;
	s9 =	sld [smem:$0x3FB3]  }
0x2f: {  	lr =	sadd.s32 s0, s3;
	s0 =	sld [smem:$0x3FAA]  }
0x30: {  	s3 =	sld [smem:$0x3FAD]  }
0x31: {  	[smem:$0x3FB6] =	sst s10  }
0x32: {  	s10 =	sld [smem:$0x3FB4];
	_ =	sdelay $0x3  }
0x33: {  	p0 =	seq.s32 s10, $0x1;
	s10 =	sld [smem:$0x3FB6];
	_ =	sdelay $0x3  }
0x34: {  	[smem:$0x3FB6] =	sst s10  }
0x35: {  	s10 =	sld [smem:$0x3FB5];
	_ =	sdelay $0x3  }
0x36: {  	p1 =	seq.s32 s10, $0x1;
	s10 =	sld [smem:$0x3FB6];
	_ =	sdelay $0x3  }
0x37: {  	[smem:$0x3FB6] =	sst s10  }
0x38: {  	s10 =	sld [smem:$0x3FB7]  }
0x39: {  	_ = 	snop;
	(pc) =	sbr.ind lr, $3  }
0x3a: {  	_ = 	snop  }
0x3b: {  	_ = 	snop  }
0x3c: {  	p2 =	seq.s32 s10, $0x1;
	s10 =	sld [smem:$0x3FB6]  }
0x3d: {  	_ =	shalt  }
0x3e: {  	_ =	shalt  }
0x3f: {  	_ =	shalt  }
0x40: {  	_ =	shalt  }
0x41: {  	_ =	shalt  }
0x42: {  	_ =	shalt  }
0x43: {  	_ =	shalt  }
0x44: {  	_ =	shalt  }
0x45: {  	_ =	shalt  }
0x46: {  	_ =	shalt  }
0x47: {  	_ =	shalt  }
0x48: {  	_ =	shalt  }
0x49: {  	_ =	shalt  }
0x4a: {  	_ =	shalt  }
0x4b: {  	_ =	shalt  }
0x4c: {  	_ =	shalt  }
0x4d: {  	_ =	shalt  }
0x4e: {  	_ =	shalt  }
0x4f: {  	_ =	shalt  }
0x50: {  	_ =	shalt  }
0x51: {  	_ =	shalt  }
0x52: {  	_ =	shalt  }
0x53: {  	_ =	shalt  }
0x54: {  	_ =	shalt  }
0x55: {  	_ =	shalt  }
0x56: {  	_ =	shalt  }
0x57: {  	_ =	shalt  }
0x58: {  	_ =	shalt  }
0x59: {  	_ =	shalt  }
0x5a: {  	_ =	shalt  }
0x5b: {  	_ =	shalt  }
0x5c: {  	_ =	shalt  }
0x5d: {  	_ =	shalt  }
0x5e: {  	_ =	shalt  }
0x5f: {  	_ =	shalt  }
0x60: {  	_ =	shalt  }
0x61: {  	_ =	shalt  }
0x62: {  	_ =	shalt  }
0x63: {  	_ =	shalt  }
0x64: {  	_ =	shalt  }
0x65: {  	_ =	shalt  }
0x66: {  	_ =	shalt  }
0x67: {  	_ =	shalt  }
0x68: {  	_ =	shalt  }
0x69: {  	_ =	shalt  }
0x6a: {  	_ =	shalt  }
0x6b: {  	_ =	shalt  }
0x6c: {  	_ =	shalt  }
0x6d: {  	_ =	shalt  }
0x6e: {  	_ =	shalt  }
0x6f: {  	_ =	shalt  }
0x70: {  	_ =	shalt  }
0x71: {  	_ =	shalt  }
0x72: {  	_ =	shalt  }
0x73: {  	_ =	shalt  }
0x74: {  	_ =	shalt  }
0x75: {  	_ =	shalt  }
0x76: {  	_ =	shalt  }
0x77: {  	_ =	shalt  }
0x78: {  	_ =	shalt  }
0x79: {  	_ =	shalt  }
0x7a: {  	_ =	shalt  }
0x7b: {  	_ =	shalt  }
0x7c: {  	_ =	shalt  }
0x7d: {  	_ =	shalt  }
0x7e: {  	_ =	shalt  }
0x7f: {  	_ =	shalt  }
0x80: {  	_ =	shalt  }
0x81: {  	_ =	shalt  }
0x82: {  	_ =	shalt  }
0x83: {  	_ =	shalt  }
0x84: {  	_ =	shalt  }
0x85: {  	_ =	shalt  }
0x86: {  	_ =	shalt  }
0x87: {  	_ =	shalt  }
.Lfunc_end0:
.L_simem_size_0:
called_computation.1_lowered:
.L_overlay_start_0:
0x88: {  	s2 =	sld [smem:$0x3FD9]  }
0x89: {  	s3 =	sld [smem:$0x3FFE];
	_ =	sdelay $0x1  }
0x8a: {  	s1 =	srdreg.scid  }
0x8b: {  	s0 =	sand.u32 $0x1, s1  }
0x8c: {  	s17 =	sshll.u32 s0, $0xA;
	s2 =	sadd.s32 s3, s2  }
0x8d: {  	s2 =	sadd.s32 s2, s17  }
0x8e: {  	[smem:$0x3FC2] =	sst s2  }
0x8f: {  	_ = 	snop  }
0x90: {  	s2 =	sld [smem:$0x3FD0];
	(tm) =	ssettm $0x1  }
0x91: {  	s18 =	sld [smem:$0x3FFB];
	_ =	sdelay $0x3  }
0x92: {  	_ =	strace s18  }
0x93: {  	s3 =	sld [smem:$0x3FFC];
	_ =	sdelay $0x3  }
0x94: {  	_ =	strace s3  }
0x95: {  	s3 =	sld [smem:$0x3FFD];
	_ =	sdelay $0x3  }
0x96: {  	_ =	strace s3  }
0x97: {  	_ =	strace $0x8FFFFFFF  }
0x98: {  	s19 =	sld [smem:$0x3FDB];
	_ =	sdelay $0x1  }
0x99: {  	s4 =	simm.s32 $_scs_section_size  }
0x9a: {  	s5 =	simm.s32 $_size__tile_overlayer_lowered;
	s6 =	simm.s32 $_tile_overlayer_lowered  }
0x9b: {  	s22 =	simm.s32 $0x1BFF;
	s21 =	sshll.u32 s6, $0x1;
	s3 =	sadd.s32 s4, s19  }
0x9c: {  	s7 =	simm.s32 $0x0;
	s20 =	sshll.u32 s5, $0x1;
	s5 =	sadd.s32 s21, s3  }
0x9d: {  	[timem:s7], [sflag:s22] =	dma.local [hbm:s5], s20  }
0x9e: {  	_ =	swait.ge [sflag:s22], s20  }
0x9f: {  	s4 =	ssub.s32 $0x0, s20;
	[sflag:s22] =	ssyncset.done $0x0  }
0xa0: {  	[sflag:s22] =	ssyncadd.s32 s4;
	_ =	sdelay $0x1  }
0xa1: {  	s23 =	simm.s32 $0x1B8B  }
0xa2: {  	_ =	swait.ge [sflag:s23], $0x1  }
0xa3: {  	[sflag:s23] =	ssyncset.done $0x0  }
0xa4: {  	s25 =	simm.s32 $0x1B8E;
	s24 =	sld [smem:$0x3FFE];
	[sflag:s23] =	ssyncadd.s32 $0xFFFFFFFF  }
0xa5: {  	s26 =	simm.s32 $execute0_lowered;
	[smem:$0x3FD2] =	sst s25  }
0xa6: {  	s5 =	sshll.u32 s26, $0x1;
	_ =	strace $0x80000049;
	[dreg:$0x1] =	wrdreg $0xFFFFFFFF  }
0xa7: {  	s28 =	simm.s32 $_size_execute0_lowered;
	s3 =	sadd.s32 s3, s5;
	[dreg:$0x0] =	wrdreg $0x0  }
0xa8: {  	s5 =	sshll.u32 s28, $0x1;
	[dreg:$0x2] =	wrdreg s3  }
0xa9: {  	[dreg:$0x3] =	wrdreg s5  }
0xaa: {  	[dreg:$0x4] =	wrdreg $0xC0  }
0xab: {  	_ =	task [dreg:s7], $0x5FFFF  }
0xac: {  	[dreg:$0x1] =	wrdreg $0xFFFFFFFF  }
0xad: {  	[dreg:$0x0] =	wrdreg $0x60  }
0xae: {  	[dreg:$0x2] =	wrdreg s24  }
0xaf: {  	[dreg:$0x3] =	wrdreg s2  }
0xb0: {  	[dreg:$0x4] =	wrdreg $0x9  }
0xb1: {  	_ =	task.clear_ibuf [dreg:s7], $0x5FFFF;
	_ =	strace $0x90000049  }
0xb2: {  	s29 =	simm.s32 $0x9;
	_ =	strace $0x8000004B  }
0xb3: {  	_ =	swait.ge [sflag:s29], $0x1  }
0xb4: {  	[sflag:s29] =	ssyncadd.s32 $0xFFFFFFFF  }
0xb5: {  	_ =	strace $0x9000004B  }
0xb6: {  	_ =	sfence  }
0xb7: {  	s30 =	sld [smem:$0x0];
	_ =	sdelay $0x2  }
0xb8: {  	s31 =	sshll.u32 s1, $0xD;
	s1 =	sshrl.u32 s1, $0x2  }
0xb9: {  	s3 =	sand.u32 $0x4000, s31;
	s1 =	sadd.s32 s1, s30  }
0xba: {  	s0 =	sor.u32 s3, s0;
	s1 =	sshll.u32 s1, $0x11  }
0xbb: {  	s0 =	sor.u32 s1, s0  }
0xbc: {  	s0 =	sadd.s32 $0x8F2B, s0  }
0xbd: {  	[sflag:s0] =	ssyncadd.remote.s32 $0x1  }
0xbe: {  	_ =	sfence.sel $0xFFFF  }
0xbf: {  	[dreg:$0x0] =	wrdreg $0xFFFFFFFF;
	(pc) =	sbr.abs _section_cstart, $3  }
0xc0: {  	[dreg:$0x1] =	wrdreg $0xFFFFFFFF  }
0xc1: {  	_ =	task.clear_ibuf [dreg:s7], $0x2FFFF;
	_ =	strace $0x9FFFFFFF  }
0xc2: {  	(tm) =	ssettm $0x7FFFFFFF  }
0xc3: {  	_ =	shalt  }
tec
execute0_lowered:
.L_overlay_start_1:
0x0: {  	(tag) =	ssettag $0x1  }
0x1: {  	s1 =	srdreg.scid  }
0x2: {  	s0 =	stileid.u32;
	s8 =	rddreg [dreg:$0x0]  }
0x3: {  	s10 =	rddreg [dreg:$0x1];
	s16 =	simm.s32 $0xB00;
	s17 =	simm.s32 $0x1080  }
0x4: {  	s18 =	simm.s32 $0x1600;
	s19 =	simm.s32 $0x2100;
	s20 =	simm.s32 $0x2C00  }
0x5: {  	s21 =	simm.s32 $0x1;
	s22 =	simm.s32 $0x2C80;
	s23 =	simm.s32 $0x80  }
0x6: {  	s24 =	simm.s32 $0x400;
	s25 =	simm.s32 $0x3780;
	s26 =	simm.s32 $0x0  }
0x7: {  	s1 =	sand.u32 $0x1, s1;
	s2 =	sshll.u32 s0, $0x1;
	s4 =	sadd.s32 $0xE4600, s8  }
0x8: {  	s5 =	sadd.s32 $0xE4200, s8;
	s13 =	sshrl.u32 s0, $0x2;
	s31 =	smul.u32 $0xAA0, s0  }
0x9: {  	s6 =	sadd.s32 $0x4400, s8;
	s7 =	sor.u32 s1, s2;
	s13 =	smul.u32 $0x5800, s13  }
0xa: {  	s2 =	simm.s32 $0x0;
	s12 =	ssub.s32 $0x2, s1;
	s1 =	smul.u32 $0x550, s1  }
0xb: {  	s9 =	smul.u32 $0x550, s7;
	[smem:$0x7FF] =	sst s2;
	s14 =	sshrl.u32 s12, $0x1  }
0xc: {  	s7 =	sshll.u32 s7, $0x7;
	_ =	strace $0x8000004A;
	s12 =	ssub.s32 s12, s14  }
0xd: {  	s29 =	sand.u32 $0x380, s7;
	s14 =	simm.s32 $0x580;
	s3 =	smin.u32 s9, $0xA3F0  }
0xe: {  	s9 =	sshrl.u32 s9, $0x3;
	s30 =	sor.u32 s13, s29;
	s13 =	simm.s32 $0x2  }
0xf: {  	s3 =	sshrl.u32 s3, $0x3;
	s15 =	sadd.s32 s9, s8;
	s9 =	sshrl.u32 s30, $0x3  }
0x10: {  	s11 =	sadd.s32 s3, s8;
	s3 =	sadd.s32 $0xE4400, s8;
	s9 =	sadd.s32 s10, s9  }
0x11: {  	s10 =	sadd.s32 $0xE4800, s15;
	s15 =	simm.s32 $0x550;
	s7 =	sadd.s32 $0x2E00, s11  }
0x12: {  	v0 =	vimm.f32 $0.0e+00;
	v1 =	vlaneseq.u32;
	s8 =	sadd.s32 $0x1800, s11;
	s11 =	smax.u32 s12, $0x1;
	s12 =	sadd.s32 s1, s31  }
.LBB2_1:
0x13: {  	[tilespmem:s2], [sflag:$0x2] =	stream.linear.gather [hbm4b:s7+s2], $0x550, $0x38;
	[tilespmem:$0x3D00] =	vst v63  }
0x14: {  	_ =	swait.ge [sflag:s13], $0x550  }
0x15: {  	[sflag:s13] =	ssyncset.done $0x0  }
0x16: {  	[sflag:s13] =	ssyncadd.s32 $0xFFFFFAB0  }
0x17: {  	[tilespmem:s14], [sflag:$0x2] =	stream.linear.gather [hbm4b:s8+s2], $0x550, $0x38;
	[tilespmem:$0x3D00] =	vst v63  }
0x18: {  	_ =	swait.ge [sflag:s13], $0x550  }
0x19: {  	[sflag:s13] =	ssyncset.done $0x0  }
0x1a: {  	s29 =	simm.s32 $0x20;
	[sflag:s13] =	ssyncadd.s32 $0xFFFFFAB0  }
0x1b: {  	v2 =	vld [tilespmem:s29+$0xFFFFFFE0]  }
0x1c: {  	s1 =	simm.s32 $0x5A0  }
0x1d: {  	v3 =	vld [tilespmem:s1+$0xFFFFFFE0];
	_ =	sdelay $0x2  }
0x1e: {  	v2 =	vmul.u32 $0xA94, v2;
	_ =	sdelay $0x1  }
0x1f: {  	s28 =	simm.s32 $0xB20;
	v2 =	vadd.s32 v3, v2  }
0x20: {  	[tilespmem:s28+$0xFFFFFFE0] =	vst v2  }
0x21: {  	v2 =	vld [tilespmem:s29+$0xFFFFFFF0];
	_ =	sdelay $0x1  }
0x22: {  	v3 =	vld [tilespmem:s1+$0xFFFFFFF0];
	_ =	sdelay $0x2  }
0x23: {  	v2 =	vmul.u32 $0xA94, v2;
	_ =	sdelay $0x1  }
0x24: {  	v2 =	vadd.s32 v3, v2  }
0x25: {  	[tilespmem:s28+$0xFFFFFFF0] =	vst v2  }
0x26: {  	v2 =	vld [tilespmem:s29+$0x0];
	_ =	sdelay $0x1  }
0x27: {  	v3 =	vld [tilespmem:s1+$0x0];
	_ =	sdelay $0x2  }
0x28: {  	v2 =	vmul.u32 $0xA94, v2;
	_ =	sdelay $0x1  }
0x29: {  	v2 =	vadd.s32 v3, v2  }
0x2a: {  	[tilespmem:s28+$0x0] =	vst v2  }
0x2b: {  	v2 =	vld [tilespmem:s29+$0x10];
	_ =	sdelay $0x1  }
0x2c: {  	v3 =	vld [tilespmem:s1+$0x10];
	_ =	sdelay $0x2  }
0x2d: {  	v2 =	vmul.u32 $0xA94, v2;
	_ =	sdelay $0x1  }
0x2e: {  	v2 =	vadd.s32 v3, v2  }
0x2f: {  	s30 =	simm.s32 $0x60;
	s29 =	simm.s32 $0x0;
	[tilespmem:s28+$0x10] =	vst v2  }
.LBB2_2:
0x30: {  	v2 =	vld [tilespmem:s30+$0xFFFFFFE0];
	s29 =	sadd.s32 $0x4, s29;
	s1 =	sadd.s32 $0x40, s1  }
0x31: {  	v3 =	vld [tilespmem:s1+$0xFFFFFFE0];
	p0 =	slt.u32 s29, $0x50;
	_ =	sdelay $0x3  }
0x32: {  	v2 =	vmul.u32 $0xA94, v2;
	_ =	sdelay $0x1  }
0x33: {  	s28 =	sadd.s32 $0x40, s28;
	v2 =	vadd.s32 v3, v2  }
0x34: {  	[tilespmem:s28+$0xFFFFFFE0] =	vst v2  }
0x35: {  	v2 =	vld [tilespmem:s30+$0xFFFFFFF0];
	_ =	sdelay $0x1  }
0x36: {  	v3 =	vld [tilespmem:s1+$0xFFFFFFF0];
	_ =	sdelay $0x2  }
0x37: {  	v2 =	vmul.u32 $0xA94, v2;
	_ =	sdelay $0x1  }
0x38: {  	v2 =	vadd.s32 v3, v2  }
0x39: {  	[tilespmem:s28+$0xFFFFFFF0] =	vst v2  }
0x3a: {  	v2 =	vld [tilespmem:s30+$0x0];
	_ =	sdelay $0x1  }
0x3b: {  	v3 =	vld [tilespmem:s1+$0x0];
	_ =	sdelay $0x2  }
0x3c: {  	v2 =	vmul.u32 $0xA94, v2;
	_ =	sdelay $0x1  }
0x3d: {  	v2 =	vadd.s32 v3, v2  }
0x3e: {  	[tilespmem:s28+$0x0] =	vst v2  }
0x3f: {  	v2 =	vld [tilespmem:s30+$0x10]  }
0x40: {  	v3 =	vld [tilespmem:s1+$0x10];
	_ =	sdelay $0x2  }
.Ltmp0:
0x41: {  	(pc) =	sbr.rel @p0 .LBB2_2-.Ltmp0, $3  }
0x42: {  	v2 =	vmul.u32 $0xA94, v2;
	_ =	sdelay $0x1  }
0x43: {  	v2 =	vadd.s32 v3, v2  }
0x44: {  	s30 =	sadd.s32 $0x40, s30;
	[tilespmem:s28+$0x10] =	vst v2  }
0x45: {  	v2 =	vld [tilespmem:$0x540];
	_ =	sdelay $0x1  }
0x46: {  	v3 =	vld [tilespmem:$0xAC0];
	_ =	sdelay $0x2  }
0x47: {  	v2 =	vmul.u32 $0xA94, v2;
	_ =	sdelay $0x1  }
0x48: {  	v2 =	vadd.s32 v3, v2  }
0x49: {  	[tilespmem:$0x1040] =	vst v2  }
0x4a: {  	[tilespmem:s17], [sflag:$0x1] =	stream.indirect.gather [hbm4b:s6+s15], $0x1, s16, s15, $0xb8;
	[tilespmem:$0x3D00] =	vst v63  }
0x4b: {  	_ = 	snop  }
0x4c: {  	[tilespmem:s18], [sflag:$0x2] =	stream.linear.gather [hbm4b:s3+s2], $0xB00, $0x38;
	[tilespmem:$0x3D00] =	vst v63  }
0x4d: {  	_ =	swait.ge [sflag:s13], $0xB00  }
0x4e: {  	[sflag:s13] =	ssyncset.done $0x0  }
0x4f: {  	[sflag:s13] =	ssyncadd.s32 $0xFFFFF500  }
0x50: {  	[tilespmem:s19], [sflag:$0x2] =	stream.linear.gather [hbm4b:s4+s2], $0xB00, $0x38;
	[tilespmem:$0x3D00] =	vst v63  }
0x51: {  	_ =	swait.ge [sflag:s13], $0xB00  }
0x52: {  	[sflag:s13] =	ssyncset.done $0x0  }
0x53: {  	[sflag:s13] =	ssyncadd.s32 $0xFFFFF500  }
0x54: {  	[tilespmem:s20], [sflag:$0x2] =	stream.linear.gather [hbm4b:s5+s2], $0x80, $0x38;
	[tilespmem:$0x3D00] =	vst v63  }
0x55: {  	_ =	swait.ge [sflag:s13], $0x80  }
0x56: {  	[sflag:s13] =	ssyncset.done $0x0  }
0x57: {  	s1 =	simm.s32 $0x2CA0;
	[sflag:s13] =	ssyncadd.s32 $0xFFFFFF80  }
0x58: {  	v2 =	vld [tilespmem:$0x2C00];
	[tilespmem:s1+$0xFFFFFFE0] =	vst v0  }
0x59: {  	[tilespmem:s1+$0x10] =	vst v0  }
0x5a: {  	s28 =	simm.s32 $0x0;
	[tilespmem:s1+$0x0] =	vst v0  }
.LBB2_4:
0x5b: {  	s28 =	sadd.s32 $0x4, s28  }
0x5c: {  	[tilespmem:s1+$0xFFFFFFF0] =	vst v0;
	s1 =	sadd.s32 $0x40, s1;
	p0 =	slt.u32 s28, $0xA4  }
.Ltmp1:
0x5d: {  	[tilespmem:s1+$0xFFFFFFE0] =	vst v0;
	(pc) =	sbr.rel @p0 .LBB2_4-.Ltmp1, $3  }
0x5e: {  	_ =	sdelay $0x1  }
0x5f: {  	[tilespmem:s1+$0x10] =	vst v0  }
0x60: {  	[tilespmem:s1+$0x0] =	vst v0  }
0x61: {  	[tilespmem:s1+$0xFFFFFFF0] =	vst v0  }
0x62: {  	[tilespmem:$0x3700] =	vst v0  }
0x63: {  	[tilespmem:$0x3710] =	vst v0  }
0x64: {  	_ =	swait.ge [sflag:s21], $0x550  }
0x65: {  	[sflag:s21] =	ssyncset.done $0x0  }
0x66: {  	s28 =	simm.s32 $0x0;
	[sflag:s21] =	ssyncadd.s32 $0xFFFFFAB0  }
0x67: {  	v3 =	vld [tilespmem:s28+$0x0]  }
0x68: {  	v4 =	vld [tilespmem:s28+$0x580];
	_ =	sdelay $0x6  }
0x69: {  	v5 =	vld.idx.msk [tilespmem:v3+s18+$0x0], $0xffff  }
0x6a: {  	v4 =	vld.idx.msk [tilespmem:v4+s19+$0x0], $0xffff;
	_ =	sdelay $0x4  }
0x6b: {  	v6 =	vadd.f32 v5, v2;
	v4 =	vadd.f32 v4, v5;
	_ =	sdelay $0x1  }
0x6c: {  	v5 =	vmul.f32 $2.000000030e-01, v6;
	v7 =	vmul.f32 $2.000000030e-01, v4  }
0x6d: {  	vm0 =	vgt.f32 v4, $0.0e+00;
	vm1 =	vgt.f32 v6, $0.0e+00  }
0x6e: {  	v5 =	vsel vm1, v6, v5;
	v4 =	vsel vm0, v4, v7  }
0x6f: {  	v4 =	vsub.f32 v4, v5;
	_ =	sdelay $0x1  }
0x70: {  	v4 =	vmul.f32 $1.442695020e+00, v4;
	_ =	sdelay $0x1  }
0x71: {  	(erf) = vpow2.f32 v4;
	_ =	sdelay $0x2  }
0x72: {  	v4 =	vld [tilespmem:s28+$0x1080];
	_ =	sdelay $0x2  }
0x73: {  	v5 =	vor.u32 s12, v1;
	_ =	sdelay $0x1  }
0x74: {  	vm14 =	veq.s32 v4, v5  }
0x75: {  	v4 =	vsel vm14, $0x3F800000, v0;
	v5 =	vpop (erf)  }
0x76: {  	v6 =	vmul.f32 v5, v4;
	_ =	sdelay $0x1  }
0x77: {  	[tilespmem:v3+s22+$0x0] =	vst.idx.add.f32.msk $0xffff, v6  }
0x78: {  	v3 =	vld [tilespmem:s28+$0xB00];
	_ =	sdelay $0x4  }
0x79: {  	v3 =	vadd.s32 $0x4D2, v3  }
0x7a: {  	v4 =	vshrl.u32 v3, $0x13;
	v5 =	vshll.u32 v3, $0xD  }
0x7b: {  	v4 =	vor.u32 v4, v5  }
0x7c: {  	v4 =	vxor.u32 v3, v4  }
0x7d: {  	v5 =	vshrl.u32 v4, $0x11;
	v7 =	vshll.u32 v4, $0xF  }
0x7e: {  	v3 =	vadd.s32 v3, v4;
	v4 =	vor.u32 v5, v7  }
0x7f: {  	v4 =	vxor.u32 v4, v3  }
0x80: {  	v5 =	vshrl.u32 v4, $0x6;
	v7 =	vshll.u32 v4, $0x1A  }
0x81: {  	v3 =	vadd.s32 v3, v4;
	v4 =	vor.u32 v5, v7  }
0x82: {  	v4 =	vxor.u32 v4, v3  }
0x83: {  	v5 =	vshrl.u32 v4, $0x1A;
	v7 =	vshll.u32 v4, $0x6  }
0x84: {  	v3 =	vadd.s32 v3, v4;
	v4 =	vor.u32 v5, v7  }
0x85: {  	v4 =	vxor.u32 v4, v3  }
0x86: {  	v4 =	vadd.s32 $0x1BD11F09, v4  }
0x87: {  	v3 =	vadd.s32 v4, v3;
	v5 =	vshrl.u32 v4, $0xF;
	v4 =	vshll.u32 v4, $0x11  }
0x88: {  	v3 =	vadd.s32 $0x4D2, v3;
	v4 =	vor.u32 v5, v4  }
0x89: {  	v4 =	vxor.u32 v4, v3  }
0x8a: {  	v5 =	vshrl.u32 v4, $0x3;
	v7 =	vshll.u32 v4, $0x1D  }
0x8b: {  	v3 =	vadd.s32 v3, v4;
	v4 =	vor.u32 v5, v7  }
0x8c: {  	v4 =	vxor.u32 v4, v3  }
0x8d: {  	v5 =	vshrl.u32 v4, $0x10;
	v7 =	vshll.u32 v4, $0x10  }
0x8e: {  	v3 =	vadd.s32 v3, v4;
	v4 =	vor.u32 v5, v7  }
0x8f: {  	v4 =	vxor.u32 v4, v3  }
0x90: {  	v5 =	vshrl.u32 v4, $0x8;
	v7 =	vshll.u32 v4, $0x18  }
0x91: {  	v3 =	vadd.s32 v3, v4;
	v4 =	vor.u32 v5, v7  }
0x92: {  	v4 =	vxor.u32 v4, v3  }
0x93: {  	v4 =	vadd.s32 $0x2, v4  }
0x94: {  	v3 =	vadd.s32 v4, v3;
	v5 =	vshrl.u32 v4, $0x13;
	v4 =	vshll.u32 v4, $0xD  }
0x95: {  	v3 =	vadd.s32 $0x1BD11F08, v3;
	v4 =	vor.u32 v5, v4  }
0x96: {  	v4 =	vxor.u32 v4, v3  }
0x97: {  	v5 =	vshrl.u32 v4, $0x11;
	v7 =	vshll.u32 v4, $0xF  }
0x98: {  	v3 =	vadd.s32 v3, v4;
	v4 =	vor.u32 v5, v7  }
0x99: {  	v4 =	vxor.u32 v4, v3  }
0x9a: {  	v5 =	vshrl.u32 v4, $0x6;
	v7 =	vshll.u32 v4, $0x1A  }
0x9b: {  	v3 =	vadd.s32 v3, v4;
	v4 =	vor.u32 v5, v7  }
0x9c: {  	v4 =	vxor.u32 v4, v3  }
0x9d: {  	v5 =	vshrl.u32 v4, $0x1A;
	v7 =	vshll.u32 v4, $0x6  }
0x9e: {  	v3 =	vadd.s32 v3, v4;
	v4 =	vor.u32 v5, v7  }
0x9f: {  	v4 =	vxor.u32 v4, v3  }
0xa0: {  	v4 =	vadd.s32 $0x4D5, v4  }
0xa1: {  	v5 =	vshrl.u32 v4, $0xF;
	v7 =	vshll.u32 v4, $0x11  }
0xa2: {  	v3 =	vadd.s32 v3, v4;
	v4 =	vor.u32 v5, v7  }
0xa3: {  	v4 =	vxor.u32 v4, v3  }
0xa4: {  	v5 =	vshrl.u32 v4, $0x3;
	v7 =	vshll.u32 v4, $0x1D  }
0xa5: {  	v3 =	vadd.s32 v3, v4;
	v4 =	vor.u32 v5, v7  }
0xa6: {  	v4 =	vxor.u32 v4, v3  }
0xa7: {  	v5 =	vshrl.u32 v4, $0x10;
	v7 =	vshll.u32 v4, $0x10  }
0xa8: {  	v3 =	vadd.s32 v3, v4;
	v4 =	vor.u32 v5, v7  }
0xa9: {  	v4 =	vxor.u32 v4, v3  }
0xaa: {  	v5 =	vshrl.u32 v4, $0x8;
	v7 =	vshll.u32 v4, $0x18  }
0xab: {  	v3 =	vadd.s32 v3, v4;
	v4 =	vor.u32 v5, v7  }
0xac: {  	v4 =	vxor.u32 v4, v3  }
0xad: {  	v4 =	vadd.s32 $0x1BD11F0C, v4  }
0xae: {  	v3 =	vadd.s32 v4, v3;
	v5 =	vshrl.u32 v4, $0x13;
	v4 =	vshll.u32 v4, $0xD  }
0xaf: {  	v3 =	vadd.s32 $0x4D2, v3;
	v4 =	vor.u32 v5, v4  }
0xb0: {  	v4 =	vxor.u32 v4, v3  }
0xb1: {  	v5 =	vshrl.u32 v4, $0x11;
	v7 =	vshll.u32 v4, $0xF  }
0xb2: {  	v3 =	vadd.s32 v3, v4;
	v4 =	vor.u32 v5, v7  }
0xb3: {  	v4 =	vxor.u32 v4, v3  }
0xb4: {  	v5 =	vshrl.u32 v4, $0x6;
	v7 =	vshll.u32 v4, $0x1A  }
0xb5: {  	v3 =	vadd.s32 v3, v4;
	v4 =	vor.u32 v5, v7  }
0xb6: {  	v4 =	vxor.u32 v4, v3  }
0xb7: {  	v5 =	vshrl.u32 v4, $0x1A;
	v7 =	vshll.u32 v4, $0x6  }
0xb8: {  	v3 =	vadd.s32 v3, v4;
	v4 =	vor.u32 v5, v7  }
0xb9: {  	v4 =	vxor.u32 v4, v3  }
0xba: {  	v3 =	vadd.s32 $0x1BD11F08, v3;
	v4 =	vadd.s32 $0x5, v4  }
0xbb: {  	v3 =	vxor.u32 v3, v4  }
0xbc: {  	v3 =	vshrl.u32 v3, $0x9  }
0xbd: {  	s1 =	simm.s32 $0x10;
	v3 =	vor.u32 $0x3F800000, v3  }
0xbe: {  	v4 =	vld [tilespmem:s1+$0x0];
	v3 =	vadd.f32 $-1.000000000e+00, v3  }
0xbf: {  	v5 =	vld [tilespmem:s1+$0x580]  }
0xc0: {  	vm15 =	vlt.f32 v3, $8.999999760e-01  }
0xc1: {  	v3 =	vsel vm15, $0x3F8E38E4, v0  }
0xc2: {  	s30 =	simm.s32 $0x80;
	s29 =	smov.u32 s12;
	v3 =	vmul.f32 v3, v6  }
.LBB2_6:
0xc3: {  	p0 =	sne.s32 s30, $0x1500  }
0xc4: {  	s29 =	sadd.s32 $0x10, s29;
	s31 =	smov.u32 s30;
	s30 =	sadd.s32 $0x40, s30  }
0xc5: {  	[tilespmem:s28+$0x3780] =	vst v3;
	s28 =	smov.u32 s1  }
0xc6: {  	v3 =	vld.idx.msk [tilespmem:v4+s18+$0x0], $0xffff  }
0xc7: {  	v5 =	vld.idx.msk [tilespmem:v5+s19+$0x0], $0xffff;
	_ =	sdelay $0x4  }
0xc8: {  	v6 =	vadd.f32 v3, v2  }
0xc9: {  	v3 =	vadd.f32 v5, v3  }
0xca: {  	v5 =	vmul.f32 $2.000000030e-01, v6  }
0xcb: {  	vm1 =	vgt.f32 v6, $0.0e+00;
	vm0 =	vgt.f32 v3, $0.0e+00;
	v7 =	vmul.f32 $2.000000030e-01, v3  }
0xcc: {  	v5 =	vsel vm1, v6, v5  }
0xcd: {  	v3 =	vsel vm0, v3, v7  }
0xce: {  	v3 =	vsub.f32 v3, v5;
	_ =	sdelay $0x1  }
0xcf: {  	v3 =	vmul.f32 $1.442695020e+00, v3;
	_ =	sdelay $0x1  }
0xd0: {  	(erf) = vpow2.f32 v3;
	_ =	sdelay $0x1  }
0xd1: {  	v3 =	vld [tilespmem:s28+$0x1080];
	_ =	sdelay $0x3  }
0xd2: {  	v5 =	vor.u32 s29, v1  }
0xd3: {  	vm0 =	veq.s32 v3, v5  }
0xd4: {  	v3 =	vsel vm0, $0x3F800000, v0  }
0xd5: {  	v5 =	vpop (erf)  }
0xd6: {  	v3 =	vmul.f32 v5, v3;
	_ =	sdelay $0x1  }
0xd7: {  	[tilespmem:v4+s22+$0x0] =	vst.idx.add.f32.msk $0xffff, v3  }
0xd8: {  	v4 =	vld [tilespmem:s28+$0xB00];
	_ =	sdelay $0x4  }
0xd9: {  	v4 =	vadd.s32 $0x4D2, v4  }
0xda: {  	v5 =	vshrl.u32 v4, $0x13;
	v6 =	vshll.u32 v4, $0xD  }
0xdb: {  	v5 =	vor.u32 v5, v6  }
0xdc: {  	v5 =	vxor.u32 v4, v5  }
0xdd: {  	v4 =	vadd.s32 v4, v5;
	v6 =	vshrl.u32 v5, $0x11;
	v5 =	vshll.u32 v5, $0xF  }
0xde: {  	v5 =	vor.u32 v6, v5  }
0xdf: {  	v5 =	vxor.u32 v5, v4  }
0xe0: {  	v4 =	vadd.s32 v4, v5;
	v6 =	vshrl.u32 v5, $0x6;
	v5 =	vshll.u32 v5, $0x1A  }
0xe1: {  	v5 =	vor.u32 v6, v5  }
0xe2: {  	v5 =	vxor.u32 v5, v4  }
0xe3: {  	v4 =	vadd.s32 v4, v5;
	v6 =	vshrl.u32 v5, $0x1A;
	v5 =	vshll.u32 v5, $0x6  }
0xe4: {  	v5 =	vor.u32 v6, v5  }
0xe5: {  	v5 =	vxor.u32 v5, v4  }
0xe6: {  	v5 =	vadd.s32 $0x1BD11F09, v5  }
0xe7: {  	v4 =	vadd.s32 v5, v4;
	v6 =	vshrl.u32 v5, $0xF;
	v5 =	vshll.u32 v5, $0x11  }
0xe8: {  	v4 =	vadd.s32 $0x4D2, v4;
	v5 =	vor.u32 v6, v5  }
0xe9: {  	v5 =	vxor.u32 v5, v4  }
0xea: {  	v4 =	vadd.s32 v4, v5;
	v6 =	vshrl.u32 v5, $0x3;
	v5 =	vshll.u32 v5, $0x1D  }
0xeb: {  	v5 =	vor.u32 v6, v5  }
0xec: {  	v5 =	vxor.u32 v5, v4  }
0xed: {  	v4 =	vadd.s32 v4, v5;
	v6 =	vshrl.u32 v5, $0x10;
	v5 =	vshll.u32 v5, $0x10  }
0xee: {  	v5 =	vor.u32 v6, v5  }
0xef: {  	v5 =	vxor.u32 v5, v4  }
0xf0: {  	v4 =	vadd.s32 v4, v5;
	v6 =	vshrl.u32 v5, $0x8;
	v5 =	vshll.u32 v5, $0x18  }
0xf1: {  	v5 =	vor.u32 v6, v5  }
0xf2: {  	v5 =	vxor.u32 v5, v4  }
0xf3: {  	v5 =	vadd.s32 $0x2, v5  }
0xf4: {  	v4 =	vadd.s32 v5, v4;
	v6 =	vshrl.u32 v5, $0x13;
	v5 =	vshll.u32 v5, $0xD  }
0xf5: {  	v4 =	vadd.s32 $0x1BD11F08, v4;
	v5 =	vor.u32 v6, v5  }
0xf6: {  	v5 =	vxor.u32 v5, v4  }
0xf7: {  	v4 =	vadd.s32 v4, v5;
	v6 =	vshrl.u32 v5, $0x11;
	v5 =	vshll.u32 v5, $0xF  }
0xf8: {  	v5 =	vor.u32 v6, v5  }
0xf9: {  	v5 =	vxor.u32 v5, v4  }
0xfa: {  	v4 =	vadd.s32 v4, v5;
	v6 =	vshrl.u32 v5, $0x6;
	v5 =	vshll.u32 v5, $0x1A  }
0xfb: {  	v5 =	vor.u32 v6, v5  }
0xfc: {  	v5 =	vxor.u32 v5, v4  }
0xfd: {  	v4 =	vadd.s32 v4, v5;
	v6 =	vshrl.u32 v5, $0x1A;
	v5 =	vshll.u32 v5, $0x6  }
0xfe: {  	v5 =	vor.u32 v6, v5  }
0xff: {  	v5 =	vxor.u32 v5, v4  }
0x100: {  	v5 =	vadd.s32 $0x4D5, v5  }
0x101: {  	v4 =	vadd.s32 v4, v5;
	v6 =	vshrl.u32 v5, $0xF;
	v5 =	vshll.u32 v5, $0x11  }
0x102: {  	v5 =	vor.u32 v6, v5  }
0x103: {  	v5 =	vxor.u32 v5, v4  }
0x104: {  	v4 =	vadd.s32 v4, v5;
	v6 =	vshrl.u32 v5, $0x3;
	v5 =	vshll.u32 v5, $0x1D  }
0x105: {  	v5 =	vor.u32 v6, v5  }
0x106: {  	v5 =	vxor.u32 v5, v4  }
0x107: {  	v4 =	vadd.s32 v4, v5;
	v6 =	vshrl.u32 v5, $0x10;
	v5 =	vshll.u32 v5, $0x10  }
0x108: {  	v5 =	vor.u32 v6, v5  }
0x109: {  	v5 =	vxor.u32 v5, v4  }
0x10a: {  	v4 =	vadd.s32 v4, v5;
	v6 =	vshrl.u32 v5, $0x8;
	v5 =	vshll.u32 v5, $0x18  }
0x10b: {  	v5 =	vor.u32 v6, v5  }
0x10c: {  	v5 =	vxor.u32 v5, v4  }
0x10d: {  	v5 =	vadd.s32 $0x1BD11F0C, v5  }
0x10e: {  	v4 =	vadd.s32 v5, v4;
	v6 =	vshrl.u32 v5, $0x13;
	v5 =	vshll.u32 v5, $0xD  }
0x10f: {  	v4 =	vadd.s32 $0x4D2, v4;
	v5 =	vor.u32 v6, v5  }
0x110: {  	v5 =	vxor.u32 v5, v4  }
0x111: {  	v4 =	vadd.s32 v4, v5;
	v6 =	vshrl.u32 v5, $0x11;
	v5 =	vshll.u32 v5, $0xF  }
0x112: {  	v5 =	vor.u32 v6, v5  }
0x113: {  	v5 =	vxor.u32 v5, v4  }
0x114: {  	v4 =	vadd.s32 v4, v5;
	v6 =	vshrl.u32 v5, $0x6;
	v5 =	vshll.u32 v5, $0x1A  }
0x115: {  	v5 =	vor.u32 v6, v5  }
0x116: {  	v5 =	vxor.u32 v5, v4  }
0x117: {  	v4 =	vadd.s32 v4, v5;
	v6 =	vshrl.u32 v5, $0x1A;
	v5 =	vshll.u32 v5, $0x6  }
0x118: {  	v5 =	vor.u32 v6, v5  }
0x119: {  	v5 =	vxor.u32 v5, v4;
	v4 =	vadd.s32 $0x1BD11F08, v4  }
0x11a: {  	v5 =	vadd.s32 $0x5, v5  }
0x11b: {  	v4 =	vxor.u32 v4, v5  }
0x11c: {  	s1 =	sshra.s32 s31, $0x2;
	v5 =	vshrl.u32 v4, $0x9  }
0x11d: {  	v4 =	vld [tilespmem:s1+$0x0];
	v6 =	vor.u32 $0x3F800000, v5  }
.Ltmp2:
0x11e: {  	v5 =	vld [tilespmem:s1+$0x580];
	v6 =	vadd.f32 $-1.000000000e+00, v6;
	(pc) =	sbr.rel @p0 .LBB2_6-.Ltmp2, $4  }
0x11f: {  	_ = 	snop  }
0x120: {  	vm0 =	vlt.f32 v6, $8.999999760e-01  }
0x121: {  	v6 =	vsel vm0, $0x3F8E38E4, v0  }
0x122: {  	v3 =	vmul.f32 v6, v3  }
0x123: {  	_ =	sdelay $0x2  }
0x124: {  	[tilespmem:s28+$0x3780] =	vst v3  }
0x125: {  	v3 =	vld.idx.msk [tilespmem:v4+s18+$0x0], $0xffff  }
0x126: {  	v5 =	vld.idx.msk [tilespmem:v5+s19+$0x0], $0xffff;
	_ =	sdelay $0x4  }
0x127: {  	v2 =	vadd.f32 v3, v2;
	v3 =	vadd.f32 v5, v3;
	_ =	sdelay $0x1  }
0x128: {  	v10 =	vmul.f32 $2.000000030e-01, v2;
	v6 =	vmul.f32 $2.000000030e-01, v3  }
0x129: {  	vm0 =	vgt.f32 v3, $0.0e+00;
	vm1 =	vgt.f32 v2, $0.0e+00  }
0x12a: {  	v2 =	vsel vm1, v2, v10;
	v3 =	vsel vm0, v3, v6  }
0x12b: {  	v2 =	vsub.f32 v3, v2;
	_ =	sdelay $0x1  }
0x12c: {  	v2 =	vmul.f32 $1.442695020e+00, v2;
	_ =	sdelay $0x1  }
0x12d: {  	(erf) = vpow2.f32 v2;
	_ =	sdelay $0x2  }
0x12e: {  	v2 =	vld [tilespmem:s1+$0x1080];
	_ =	sdelay $0x1  }
0x12f: {  	s31 =	sadd.s32 $0x10, s29  }
0x130: {  	v3 =	vor.u32 s31, v1;
	_ =	sdelay $0x1  }
0x131: {  	vm14 =	veq.s32 v2, v3  }
0x132: {  	v2 =	vsel vm14, $0x3F800000, v0;
	v3 =	vpop (erf)  }
0x133: {  	v2 =	vmul.f32 v3, v2;
	_ =	sdelay $0x1  }
0x134: {  	[tilespmem:v4+s22+$0x0] =	vst.idx.add.f32.msk $0xffff, v2  }
0x135: {  	v3 =	vld [tilespmem:s1+$0xB00];
	_ =	sdelay $0x4  }
0x136: {  	v3 =	vadd.s32 $0x4D2, v3  }
0x137: {  	v11 =	vshrl.u32 v3, $0x13;
	v12 =	vshll.u32 v3, $0xD  }
0x138: {  	v4 =	vor.u32 v11, v12  }
0x139: {  	v4 =	vxor.u32 v3, v4  }
0x13a: {  	v13 =	vshrl.u32 v4, $0x11;
	v14 =	vshll.u32 v4, $0xF  }
0x13b: {  	v3 =	vadd.s32 v3, v4;
	v15 =	vor.u32 v13, v14  }
0x13c: {  	v4 =	vxor.u32 v15, v3  }
0x13d: {  	v16 =	vshrl.u32 v4, $0x6;
	v17 =	vshll.u32 v4, $0x1A  }
0x13e: {  	v3 =	vadd.s32 v3, v4;
	v18 =	vor.u32 v16, v17  }
0x13f: {  	v4 =	vxor.u32 v18, v3  }
0x140: {  	v19 =	vshrl.u32 v4, $0x1A;
	v20 =	vshll.u32 v4, $0x6  }
0x141: {  	v3 =	vadd.s32 v3, v4;
	v21 =	vor.u32 v19, v20  }
0x142: {  	v4 =	vxor.u32 v21, v3  }
0x143: {  	v4 =	vadd.s32 $0x1BD11F09, v4  }
0x144: {  	v3 =	vadd.s32 v4, v3;
	v22 =	vshrl.u32 v4, $0xF;
	v4 =	vshll.u32 v4, $0x11  }
0x145: {  	v3 =	vadd.s32 $0x4D2, v3;
	v4 =	vor.u32 v22, v4  }
0x146: {  	v4 =	vxor.u32 v4, v3  }
0x147: {  	v23 =	vshrl.u32 v4, $0x3;
	v24 =	vshll.u32 v4, $0x1D  }
0x148: {  	v3 =	vadd.s32 v3, v4;
	v25 =	vor.u32 v23, v24  }
0x149: {  	v4 =	vxor.u32 v25, v3  }
0x14a: {  	v26 =	vshrl.u32 v4, $0x10;
	v27 =	vshll.u32 v4, $0x10  }
0x14b: {  	v3 =	vadd.s32 v3, v4;
	v28 =	vor.u32 v26, v27  }
0x14c: {  	v4 =	vxor.u32 v28, v3  }
0x14d: {  	v29 =	vshrl.u32 v4, $0x8;
	v30 =	vshll.u32 v4, $0x18  }
0x14e: {  	v3 =	vadd.s32 v3, v4;
	v31 =	vor.u32 v29, v30  }
0x14f: {  	v4 =	vxor.u32 v31, v3  }
0x150: {  	v4 =	vadd.s32 $0x2, v4  }
0x151: {  	v3 =	vadd.s32 v4, v3;
	v32 =	vshrl.u32 v4, $0x13;
	v4 =	vshll.u32 v4, $0xD  }
0x152: {  	v3 =	vadd.s32 $0x1BD11F08, v3;
	v4 =	vor.u32 v32, v4  }
0x153: {  	v4 =	vxor.u32 v4, v3  }
0x154: {  	v33 =	vshrl.u32 v4, $0x11;
	v34 =	vshll.u32 v4, $0xF  }
0x155: {  	v3 =	vadd.s32 v3, v4;
	v35 =	vor.u32 v33, v34  }
0x156: {  	v4 =	vxor.u32 v35, v3  }
0x157: {  	v36 =	vshrl.u32 v4, $0x6;
	v37 =	vshll.u32 v4, $0x1A  }
0x158: {  	v3 =	vadd.s32 v3, v4;
	v38 =	vor.u32 v36, v37  }
0x159: {  	v4 =	vxor.u32 v38, v3  }
0x15a: {  	v39 =	vshrl.u32 v4, $0x1A;
	v40 =	vshll.u32 v4, $0x6  }
0x15b: {  	v3 =	vadd.s32 v3, v4;
	v41 =	vor.u32 v39, v40  }
0x15c: {  	v4 =	vxor.u32 v41, v3  }
0x15d: {  	v4 =	vadd.s32 $0x4D5, v4  }
0x15e: {  	v42 =	vshrl.u32 v4, $0xF;
	v43 =	vshll.u32 v4, $0x11  }
0x15f: {  	v3 =	vadd.s32 v3, v4;
	v44 =	vor.u32 v42, v43  }
0x160: {  	v4 =	vxor.u32 v44, v3  }
0x161: {  	v45 =	vshrl.u32 v4, $0x3;
	v46 =	vshll.u32 v4, $0x1D  }
0x162: {  	v3 =	vadd.s32 v3, v4;
	v47 =	vor.u32 v45, v46  }
0x163: {  	v4 =	vxor.u32 v47, v3  }
0x164: {  	v48 =	vshrl.u32 v4, $0x10;
	v49 =	vshll.u32 v4, $0x10  }
0x165: {  	v3 =	vadd.s32 v3, v4;
	v50 =	vor.u32 v48, v49  }
0x166: {  	v4 =	vxor.u32 v50, v3  }
0x167: {  	v51 =	vshrl.u32 v4, $0x8;
	v52 =	vshll.u32 v4, $0x18  }
0x168: {  	v3 =	vadd.s32 v3, v4;
	v53 =	vor.u32 v51, v52  }
0x169: {  	v4 =	vxor.u32 v53, v3  }
0x16a: {  	v4 =	vadd.s32 $0x1BD11F0C, v4  }
0x16b: {  	v3 =	vadd.s32 v4, v3;
	v54 =	vshrl.u32 v4, $0x13;
	v4 =	vshll.u32 v4, $0xD  }
0x16c: {  	v3 =	vadd.s32 $0x4D2, v3;
	v4 =	vor.u32 v54, v4  }
0x16d: {  	v4 =	vxor.u32 v4, v3  }
0x16e: {  	v55 =	vshrl.u32 v4, $0x11;
	v56 =	vshll.u32 v4, $0xF  }
0x16f: {  	v3 =	vadd.s32 v3, v4;
	v57 =	vor.u32 v55, v56  }
0x170: {  	v4 =	vxor.u32 v57, v3  }
0x171: {  	v58 =	vshrl.u32 v4, $0x6;
	v59 =	vshll.u32 v4, $0x1A  }
0x172: {  	v3 =	vadd.s32 v3, v4;
	v60 =	vor.u32 v58, v59  }
0x173: {  	v4 =	vxor.u32 v60, v3  }
0x174: {  	v61 =	vshrl.u32 v4, $0x1A;
	v62 =	vshll.u32 v4, $0x6  }
0x175: {  	v3 =	vadd.s32 v3, v4;
	v63 =	vor.u32 v61, v62  }
0x176: {  	v4 =	vxor.u32 v63, v3  }
0x177: {  	v3 =	vadd.s32 $0x1BD11F08, v3;
	v4 =	vadd.s32 $0x5, v4  }
0x178: {  	v3 =	vxor.u32 v3, v4  }
0x179: {  	v3 =	vshrl.u32 v3, $0x9  }
0x17a: {  	v3 =	vor.u32 $0x3F800000, v3  }
0x17b: {  	v3 =	vadd.f32 $-1.000000000e+00, v3;
	_ =	sdelay $0x1  }
0x17c: {  	vm15 =	vlt.f32 v3, $8.999999760e-01  }
0x17d: {  	v3 =	vsel vm15, $0x3F8E38E4, v0  }
0x17e: {  	v2 =	vmul.f32 v3, v2;
	_ =	sdelay $0x1  }
0x17f: {  	[tilespmem:s1+$0x3780] =	vst v2  }
0x180: {  	[hbm4b:s9+s23] =	stream.strided.scatter [tilespmem:s22], [sflag:$0x2], $0xB00, s24, s23, $0x38;
	[tilespmem:$0x3D00] =	vst v63  }
0x181: {  	s26 =	sadd.s32 $0x1, s26;
	_ =	swait.ge [sflag:s13], $0xB00  }
0x182: {  	p0 =	sne.s32 s26, s11;
	[sflag:s13] =	ssyncset.done $0x0  }
.Ltmp3:
0x183: {  	[sflag:s13] =	ssyncadd.s32 $0xFFFFF500;
	(pc) =	sbr.rel @p0 .LBB2_1-.Ltmp3, $4  }
0x184: {  	[hbm4b:s10+s2] =	stream.linear.scatter [tilespmem:s25], [sflag:$0x2], $0x550, $0x38;
	[tilespmem:$0x3D00] =	vst v63  }
0x185: {  	_ =	swait.ge [sflag:s13], $0x550  }
0x186: {  	[sflag:s13] =	ssyncset.done $0x0  }
0x187: {  	[sflag:s13] =	ssyncadd.s32 $0xFFFFFAB0  }
0x188: {  	_ =	sfence.sel $0x180000  }
0x189: {  	[bflag:$0x0] =	sbarrier.arrive $0xFFFF  }
0x18a: {  	_ =	strace $0x9000004A  }
0x18b: {  	[bflag:$0x2] =	sbarrier.arrive $0xFFFF  }
0x18c: {  	p0 =	sne.s32 s0, $0x0;
	s0 =	rddreg [dreg:$0x2]  }
0x18d: {  	s0 =	sadd.s32 @!p0 $0x100000, s0  }
0x18e: {  	[sflag:s0] =	ssyncadd.tile.s32 @!p0 $0x1;
	_ =	shalt  }
.Lfunc_end2:
_tile_overlayer_lowered:
.L_overlay_start_2:
0x18f: {  	(tag) =	ssettag $0x2  }
0x190: {  	s0 =	rddreg [dreg:$0x0];
	s2 =	stileid.u32  }
0x191: {  	s1 =	rddreg [dreg:$0x1];
	p0 =	sne.s32 s2, $0x0  }
0x192: {  	s3 =	rddreg [dreg:$0x2];
	[bflag:$0x3] =	sbarrier.arrive $0xFFFF;
	s2 =	simm.s32 @!p0 $0x1C02  }
0x193: {  	[timem:s3], [sflag:s2] =	dma.local @!p0 [hbm:s0], s1  }
0x194: {  	s0 =	simm.s32 @!p0 $0x2  }
0x195: {  	_ =	swait.ge @!p0 [sflag:s0], s1  }
0x196: {  	s1 =	ssub.s32 @!p0 $0x0, s1;
	[sflag:s0] =	ssyncset.done @!p0 $0x0  }
0x197: {  	[sflag:s0] =	ssyncadd.s32 @!p0 s1  }
0x198: {  	[bflag:$0x3] =	sbarrier.arrive $0xFFFF  }
0x199: {  	_ =	shalt  }

// kernel: kernel.15.cloned.1.call-start
scs
__scs_entry_jumppad:
0x0: {  	(pc) =	sbr.rel $0x88, $3  }
0x1: {  	(tag) =	ssettag $0x0;
	lr =	simm.s32 $0x1  }
0x2: {  	[smem:$0x3F9B] =	sst lr;
	_ =	strace $0xD0000000  }
0x3: {  	_ = 	snop  }
0x4: {  	_ = 	snop  }
0x5: {  	_ = 	snop  }
0x6: {  	_ = 	snop  }
0x7: {  	_ = 	snop  }
__scs_overlays_trampoline_lowered:
0x8: {  	[smem:$0x3FAA] =	sst s0  }
0x9: {  	[smem:$0x3FAB] =	sst s1  }
0xa: {  	[smem:$0x3FAC] =	sst s2  }
0xb: {  	[smem:$0x3FAD] =	sst s3  }
0xc: {  	[smem:$0x3FAE] =	sst s4  }
0xd: {  	[smem:$0x3FAF] =	sst s5  }
0xe: {  	[smem:$0x3FB0] =	sst s6  }
0xf: {  	[smem:$0x3FB1] =	sst s7  }
0x10: {  	[smem:$0x3FB2] =	sst s8  }
0x11: {  	[smem:$0x3FB3] =	sst s9;
	s0 =	simm.s32 @!p0 $0x0  }
0x12: {  	s1 =	sld [smem:$0x3F99];
	s0 =	simm.s32 @p0 $0x1  }
0x13: {  	[smem:$0x3FB4] =	sst s0;
	s0 =	simm.s32 @!p1 $0x0  }
0x14: {  	s2 =	sld [smem:$0x3F98];
	s0 =	simm.s32 @p1 $0x1  }
0x15: {  	[smem:$0x3FB5] =	sst s0;
	s0 =	simm.s32 @!p2 $0x0  }
0x16: {  	s3 =	sld [smem:$0x3FDB];
	s0 =	simm.s32 @p2 $0x1  }
0x17: {  	s4 =	simm.s32 $0x1BF5;
	[smem:$0x3FB7] =	sst s0  }
0x18: {  	s0 =	sld [smem:$0x3F9A];
	_ =	swait.ge [sflag:s4], $0x0  }
0x19: {  	s7 =	sld [smem:$0x3F9B]  }
0x1a: {  	s8 =	sadd.s32 $0xFFFFE003, lr  }
0x1b: {  	s9 =	sadd.s32 $0xFFFFFEF7, lr;
	s5 =	simm.s32 $0xFFFFFFFF;
	p2 =	slt.u32 s8, $0xFFFFF086  }
0x1c: {  	p1 =	slt.u32 s9, $0xF7A;
	s5 =	simm.s32 @!p2 $0x0  }
0x1d: {  	s5 =	simm.s32 @p1 $0x1;
	p0 =	seq.s32 s7, s2  }
0x1e: {  	s7 =	smul.u32 @!p0 $0xF7A, s2;
	p2 =	seq.s32 @!p0 s5, $0x0  }
0x1f: {  	s9 =	smul.u32 $0xF7A, s1;
	s8 =	simm.s32 @!p0 $0x1BF5;
	p2 =	por !p2, p0  }
0x20: {  	[sflag:s8] =	ssyncset.s32 @!p0 $0xFFFFF086;
	s6 =	sadd.s32 @!p0 s3, s7;
	s7 =	simm.s32 @!p0 $0x108  }
0x21: {  	s3 =	sadd.s32 s3, s9;
	s6 =	sadd.s32 @!p0 $0x88, s6;
	s7 =	simm.s32 @p2 $0x1082  }
0x22: {  	[simem:s7], [sflag:s8] =	dma.local @!p0 [hbm:s6], $0xF7A  }
0x23: {  	s9 =	sor.u32 $0xD0000000, s2;
	s6 =	simm.s32 $0x108;
	_ =	swait.ge @!p0 [sflag:s8], $0x0  }
0x24: {  	s3 =	sadd.s32 $0x88, s3;
	s6 =	simm.s32 @!p1 $0x1082;
	[sflag:s4] =	ssyncset.s32 $0xFFFFF086  }
0x25: {  	[simem:s6], [sflag:s4] =	dma.local [hbm:s3], $0xF7A  }
0x26: {  	[smem:$0x3F9B] =	sst s1;
	(tag) =	ssettag s2;
	_ =	strace s9  }
0x27: {  	s1 =	sld [smem:$0x3FAB]  }
0x28: {  	s2 =	sld [smem:$0x3FAC]  }
0x29: {  	s4 =	sld [smem:$0x3FAE]  }
0x2a: {  	p0 =	seq.s32 s5, $0x0;
	s5 =	sld [smem:$0x3FAF]  }
0x2b: {  	s6 =	sld [smem:$0x3FB0]  }
0x2c: {  	s7 =	sld [smem:$0x3FB1]  }
0x2d: {  	s3 =	simm.s32 $0x108;
	s8 =	sld [smem:$0x3FB2]  }
0x2e: {  	s3 =	simm.s32 @!p0 $0x1082;
	s9 =	sld [smem:$0x3FB3]  }
0x2f: {  	lr =	sadd.s32 s0, s3;
	s0 =	sld [smem:$0x3FAA]  }
0x30: {  	s3 =	sld [smem:$0x3FAD]  }
0x31: {  	[smem:$0x3FB6] =	sst s10  }
0x32: {  	s10 =	sld [smem:$0x3FB4];
	_ =	sdelay $0x3  }
0x33: {  	p0 =	seq.s32 s10, $0x1;
	s10 =	sld [smem:$0x3FB6];
	_ =	sdelay $0x3  }
0x34: {  	[smem:$0x3FB6] =	sst s10  }
0x35: {  	s10 =	sld [smem:$0x3FB5];
	_ =	sdelay $0x3  }
0x36: {  	p1 =	seq.s32 s10, $0x1;
	s10 =	sld [smem:$0x3FB6];
	_ =	sdelay $0x3  }
0x37: {  	[smem:$0x3FB6] =	sst s10  }
0x38: {  	s10 =	sld [smem:$0x3FB7]  }
0x39: {  	_ = 	snop;
	(pc) =	sbr.ind lr, $3  }
0x3a: {  	_ = 	snop  }
0x3b: {  	_ = 	snop  }
0x3c: {  	p2 =	seq.s32 s10, $0x1;
	s10 =	sld [smem:$0x3FB6]  }
0x3d: {  	_ =	shalt  }
0x3e: {  	_ =	shalt  }
0x3f: {  	_ =	shalt  }
0x40: {  	_ =	shalt  }
0x41: {  	_ =	shalt  }
0x42: {  	_ =	shalt  }
0x43: {  	_ =	shalt  }
0x44: {  	_ =	shalt  }
0x45: {  	_ =	shalt  }
0x46: {  	_ =	shalt  }
0x47: {  	_ =	shalt  }
0x48: {  	_ =	shalt  }
0x49: {  	_ =	shalt  }
0x4a: {  	_ =	shalt  }
0x4b: {  	_ =	shalt  }
0x4c: {  	_ =	shalt  }
0x4d: {  	_ =	shalt  }
0x4e: {  	_ =	shalt  }
0x4f: {  	_ =	shalt  }
0x50: {  	_ =	shalt  }
0x51: {  	_ =	shalt  }
0x52: {  	_ =	shalt  }
0x53: {  	_ =	shalt  }
0x54: {  	_ =	shalt  }
0x55: {  	_ =	shalt  }
0x56: {  	_ =	shalt  }
0x57: {  	_ =	shalt  }
0x58: {  	_ =	shalt  }
0x59: {  	_ =	shalt  }
0x5a: {  	_ =	shalt  }
0x5b: {  	_ =	shalt  }
0x5c: {  	_ =	shalt  }
0x5d: {  	_ =	shalt  }
0x5e: {  	_ =	shalt  }
0x5f: {  	_ =	shalt  }
0x60: {  	_ =	shalt  }
0x61: {  	_ =	shalt  }
0x62: {  	_ =	shalt  }
0x63: {  	_ =	shalt  }
0x64: {  	_ =	shalt  }
0x65: {  	_ =	shalt  }
0x66: {  	_ =	shalt  }
0x67: {  	_ =	shalt  }
0x68: {  	_ =	shalt  }
0x69: {  	_ =	shalt  }
0x6a: {  	_ =	shalt  }
0x6b: {  	_ =	shalt  }
0x6c: {  	_ =	shalt  }
0x6d: {  	_ =	shalt  }
0x6e: {  	_ =	shalt  }
0x6f: {  	_ =	shalt  }
0x70: {  	_ =	shalt  }
0x71: {  	_ =	shalt  }
0x72: {  	_ =	shalt  }
0x73: {  	_ =	shalt  }
0x74: {  	_ =	shalt  }
0x75: {  	_ =	shalt  }
0x76: {  	_ =	shalt  }
0x77: {  	_ =	shalt  }
0x78: {  	_ =	shalt  }
0x79: {  	_ =	shalt  }
0x7a: {  	_ =	shalt  }
0x7b: {  	_ =	shalt  }
0x7c: {  	_ =	shalt  }
0x7d: {  	_ =	shalt  }
0x7e: {  	_ =	shalt  }
0x7f: {  	_ =	shalt  }
0x80: {  	_ =	shalt  }
0x81: {  	_ =	shalt  }
0x82: {  	_ =	shalt  }
0x83: {  	_ =	shalt  }
0x84: {  	_ =	shalt  }
0x85: {  	_ =	shalt  }
0x86: {  	_ =	shalt  }
0x87: {  	_ =	shalt  }
.Lfunc_end0:
.L_simem_size_0:
called_computation.2_lowered:
.L_overlay_start_0:
0x88: {  	s2 =	sld [smem:$0x3FD9]  }
0x89: {  	s3 =	sld [smem:$0x3FFE];
	_ =	sdelay $0x1  }
0x8a: {  	s1 =	srdreg.scid  }
0x8b: {  	s0 =	sand.u32 $0x1, s1  }
0x8c: {  	s17 =	sshll.u32 s0, $0xA;
	s2 =	sadd.s32 s3, s2  }
0x8d: {  	s2 =	sadd.s32 s2, s17  }
0x8e: {  	[smem:$0x3FC2] =	sst s2  }
0x8f: {  	_ = 	snop  }
0x90: {  	s2 =	sld [smem:$0x3FD0];
	(tm) =	ssettm $0x1  }
0x91: {  	s18 =	sld [smem:$0x3FFB];
	_ =	sdelay $0x3  }
0x92: {  	_ =	strace s18  }
0x93: {  	s3 =	sld [smem:$0x3FFC];
	_ =	sdelay $0x3  }
0x94: {  	_ =	strace s3  }
0x95: {  	s3 =	sld [smem:$0x3FFD];
	_ =	sdelay $0x3  }
0x96: {  	_ =	strace s3  }
0x97: {  	_ =	strace $0x8FFFFFFF  }
0x98: {  	s19 =	sld [smem:$0x3FDB];
	_ =	sdelay $0x1  }
0x99: {  	s4 =	simm.s32 $_scs_section_size  }
0x9a: {  	s5 =	simm.s32 $_size__tile_overlayer_lowered;
	s6 =	simm.s32 $_tile_overlayer_lowered  }
0x9b: {  	s22 =	simm.s32 $0x1BFF;
	s21 =	sshll.u32 s6, $0x1;
	s3 =	sadd.s32 s4, s19  }
0x9c: {  	s7 =	simm.s32 $0x0;
	s20 =	sshll.u32 s5, $0x1;
	s5 =	sadd.s32 s21, s3  }
0x9d: {  	[timem:s7], [sflag:s22] =	dma.local [hbm:s5], s20  }
0x9e: {  	_ =	swait.ge [sflag:s22], s20  }
0x9f: {  	s4 =	ssub.s32 $0x0, s20;
	[sflag:s22] =	ssyncset.done $0x0  }
0xa0: {  	[sflag:s22] =	ssyncadd.s32 s4;
	_ =	sdelay $0x1  }
0xa1: {  	s23 =	simm.s32 $0x1B8B  }
0xa2: {  	_ =	swait.ge [sflag:s23], $0x1  }
0xa3: {  	[sflag:s23] =	ssyncset.done $0x0  }
0xa4: {  	s25 =	simm.s32 $0x1B8E;
	s24 =	sld [smem:$0x3FFE];
	[sflag:s23] =	ssyncadd.s32 $0xFFFFFFFF  }
0xa5: {  	s26 =	simm.s32 $execute0_lowered;
	[smem:$0x3FD2] =	sst s25  }
0xa6: {  	s5 =	sshll.u32 s26, $0x1;
	_ =	strace $0x8000004C;
	[dreg:$0x1] =	wrdreg $0xFFFFFFFF  }
0xa7: {  	s28 =	simm.s32 $_size_execute0_lowered;
	s3 =	sadd.s32 s3, s5;
	[dreg:$0x0] =	wrdreg $0x0  }
0xa8: {  	s5 =	sshll.u32 s28, $0x1;
	[dreg:$0x2] =	wrdreg s3  }
0xa9: {  	[dreg:$0x3] =	wrdreg s5  }
0xaa: {  	[dreg:$0x4] =	wrdreg $0xC0  }
0xab: {  	_ =	task [dreg:s7], $0x5FFFF  }
0xac: {  	[dreg:$0x1] =	wrdreg $0xFFFFFFFF  }
0xad: {  	[dreg:$0x0] =	wrdreg $0x60  }
0xae: {  	[dreg:$0x2] =	wrdreg s24  }
0xaf: {  	[dreg:$0x3] =	wrdreg s2  }
0xb0: {  	[dreg:$0x4] =	wrdreg $0x9  }
0xb1: {  	_ =	task.clear_ibuf [dreg:s7], $0x5FFFF;
	_ =	strace $0x9000004C  }
0xb2: {  	s29 =	simm.s32 $0x9;
	_ =	strace $0x8000004E  }
0xb3: {  	_ =	swait.ge [sflag:s29], $0x1  }
0xb4: {  	[sflag:s29] =	ssyncadd.s32 $0xFFFFFFFF  }
0xb5: {  	_ =	strace $0x9000004E  }
0xb6: {  	_ =	sfence  }
0xb7: {  	s30 =	sld [smem:$0x0];
	_ =	sdelay $0x2  }
0xb8: {  	s31 =	sshll.u32 s1, $0xD;
	s1 =	sshrl.u32 s1, $0x2  }
0xb9: {  	s3 =	sand.u32 $0x4000, s31;
	s1 =	sadd.s32 s1, s30  }
0xba: {  	s0 =	sor.u32 s3, s0;
	s1 =	sshll.u32 s1, $0x11  }
0xbb: {  	s0 =	sor.u32 s1, s0  }
0xbc: {  	s0 =	sadd.s32 $0x8F2B, s0  }
0xbd: {  	[sflag:s0] =	ssyncadd.remote.s32 $0x1  }
0xbe: {  	_ =	sfence.sel $0xFFFF  }
0xbf: {  	[dreg:$0x0] =	wrdreg $0xFFFFFFFF;
	(pc) =	sbr.abs _section_cstart, $3  }
0xc0: {  	[dreg:$0x1] =	wrdreg $0xFFFFFFFF  }
0xc1: {  	_ =	task.clear_ibuf [dreg:s7], $0x2FFFF;
	_ =	strace $0x9FFFFFFF  }
0xc2: {  	(tm) =	ssettm $0x7FFFFFFF  }
0xc3: {  	_ =	shalt  }
tec
execute0_lowered:
.L_overlay_start_1:
0x0: {  	(tag) =	ssettag $0x1  }
0x1: {  	s1 =	srdreg.scid  }
0x2: {  	s0 =	stileid.u32;
	s4 =	rddreg [dreg:$0x0]  }
0x3: {  	s7 =	rddreg [dreg:$0x1];
	s2 =	simm.s32 $0x0;
	s12 =	simm.s32 $0x580  }
0x4: {  	s13 =	simm.s32 $0xB00;
	s14 =	simm.s32 $0x1080;
	s15 =	simm.s32 $0x1B80  }
0x5: {  	s16 =	simm.s32 $0x2680;
	s17 =	simm.s32 $0x3180;
	s18 =	simm.s32 $0x80  }
0x6: {  	s19 =	simm.s32 $0x400;
	s20 =	simm.s32 $0x0;
	s5 =	sand.u32 $0x1, s1  }
0x7: {  	s29 =	sshll.u32 s0, $0x1;
	s1 =	rddreg [dreg:$0x2];
	s8 =	sshrl.u32 s0, $0x2  }
0x8: {  	[smem:$0x7FF] =	sst s2;
	s3 =	sor.u32 s5, s29;
	s8 =	smul.u32 $0x5800, s8  }
0x9: {  	s5 =	ssub.s32 $0x2, s5;
	s6 =	smul.u32 $0x550, s3;
	s3 =	sshll.u32 s3, $0x7  }
0xa: {  	_ =	strace $0x8000004D;
	s31 =	sshrl.u32 s5, $0x1;
	s10 =	sand.u32 $0x380, s3  }
0xb: {  	s3 =	sadd.s32 $0x4400, s4;
	s11 =	ssub.s32 s5, s31;
	s9 =	smin.u32 s6, $0xA3F0  }
0xc: {  	s8 =	sor.u32 s8, s10;
	s6 =	sshrl.u32 s6, $0x3;
	s10 =	smax.u32 s11, $0x1  }
0xd: {  	s11 =	simm.s32 $0x1;
	s9 =	sshrl.u32 s9, $0x3;
	s8 =	sshrl.u32 s8, $0x3  }
0xe: {  	s6 =	sadd.s32 s6, s4;
	s9 =	sadd.s32 s9, s4;
	s30 =	sadd.s32 s8, s4  }
0xf: {  	s6 =	sadd.s32 $0xE4800, s6;
	s7 =	sadd.s32 s7, s8;
	s4 =	sadd.s32 $0x2E00, s9  }
0x10: {  	v0 =	vimm.f32 $0.0e+00;
	s5 =	sadd.s32 $0x1800, s9;
	s8 =	sadd.s32 $0x4600, s30;
	s9 =	sadd.s32 $0x7200, s30  }
.LBB2_1:
0x11: {  	[tilespmem:s2], [sflag:$0x1] =	stream.linear.gather [hbm4b:s4+s2], $0x550, $0x38;
	[tilespmem:$0x3C80] =	vst v63  }
0x12: {  	_ =	swait.ge [sflag:s11], $0x550  }
0x13: {  	[sflag:s11] =	ssyncset.done $0x0  }
0x14: {  	[sflag:s11] =	ssyncadd.s32 $0xFFFFFAB0  }
0x15: {  	[tilespmem:s12], [sflag:$0x1] =	stream.linear.gather [hbm4b:s5+s2], $0x550, $0x38;
	[tilespmem:$0x3C80] =	vst v63  }
0x16: {  	_ =	swait.ge [sflag:s11], $0x550  }
0x17: {  	[sflag:s11] =	ssyncset.done $0x0  }
0x18: {  	[sflag:s11] =	ssyncadd.s32 $0xFFFFFAB0  }
0x19: {  	[tilespmem:s13], [sflag:$0x1] =	stream.linear.gather [hbm4b:s6+s2], $0x550, $0x38;
	[tilespmem:$0x3C80] =	vst v63  }
0x1a: {  	_ =	swait.ge [sflag:s11], $0x550  }
0x1b: {  	[sflag:s11] =	ssyncset.done $0x0  }
0x1c: {  	[sflag:s11] =	ssyncadd.s32 $0xFFFFFAB0  }
0x1d: {  	[tilespmem:s14], [sflag:$0x1] =	stream.linear.gather [hbm4b:s3+s2], $0xB00, $0x38;
	[tilespmem:$0x3C80] =	vst v63  }
0x1e: {  	_ =	swait.ge [sflag:s11], $0xB00  }
0x1f: {  	[sflag:s11] =	ssyncset.done $0x0  }
0x20: {  	s23 =	simm.s32 $0x1BA0;
	[sflag:s11] =	ssyncadd.s32 $0xFFFFF500  }
0x21: {  	s21 =	simm.s32 $0x26A0;
	[tilespmem:s23+$0xFFFFFFE0] =	vst v0  }
0x22: {  	s22 =	simm.s32 $0x31A0;
	[tilespmem:s21+$0xFFFFFFE0] =	vst v0  }
0x23: {  	[tilespmem:s22+$0xFFFFFFE0] =	vst v0  }
0x24: {  	[tilespmem:s23+$0xFFFFFFF0] =	vst v0  }
0x25: {  	[tilespmem:s21+$0xFFFFFFF0] =	vst v0  }
0x26: {  	[tilespmem:s22+$0xFFFFFFF0] =	vst v0  }
0x27: {  	[tilespmem:s23+$0x0] =	vst v0  }
0x28: {  	[tilespmem:s21+$0x0] =	vst v0  }
0x29: {  	[tilespmem:s22+$0x0] =	vst v0  }
0x2a: {  	[tilespmem:s23+$0x10] =	vst v0  }
0x2b: {  	[tilespmem:s21+$0x10] =	vst v0  }
0x2c: {  	s24 =	simm.s32 $0x1BE0;
	s23 =	simm.s32 $0x0;
	[tilespmem:s22+$0x10] =	vst v0  }
.LBB2_2:
0x2d: {  	[tilespmem:s24+$0xFFFFFFE0] =	vst v0;
	s21 =	sadd.s32 $0x40, s21  }
0x2e: {  	s22 =	sadd.s32 $0x40, s22;
	[tilespmem:s21+$0xFFFFFFE0] =	vst v0  }
0x2f: {  	[tilespmem:s22+$0xFFFFFFE0] =	vst v0  }
0x30: {  	[tilespmem:s24+$0xFFFFFFF0] =	vst v0  }
0x31: {  	[tilespmem:s21+$0xFFFFFFF0] =	vst v0  }
0x32: {  	s23 =	sadd.s32 $0x4, s23;
	[tilespmem:s22+$0xFFFFFFF0] =	vst v0  }
0x33: {  	p0 =	slt.u32 s23, $0xA4;
	[tilespmem:s24+$0x0] =	vst v0  }
.Ltmp0:
0x34: {  	[tilespmem:s21+$0x0] =	vst v0;
	(pc) =	sbr.rel @p0 .LBB2_2-.Ltmp0, $4  }
0x35: {  	[tilespmem:s22+$0x0] =	vst v0  }
0x36: {  	[tilespmem:s24+$0x10] =	vst v0  }
0x37: {  	[tilespmem:s21+$0x10] =	vst v0  }
0x38: {  	s24 =	sadd.s32 $0x40, s24;
	[tilespmem:s22+$0x10] =	vst v0  }
0x39: {  	[tilespmem:$0x2600] =	vst v0  }
0x3a: {  	[tilespmem:$0x3100] =	vst v0  }
0x3b: {  	[tilespmem:$0x3C00] =	vst v0  }
0x3c: {  	[tilespmem:$0x2610] =	vst v0  }
0x3d: {  	[tilespmem:$0x3110] =	vst v0  }
0x3e: {  	[tilespmem:$0x3C10] =	vst v0;
	s21 =	simm.s32 $0x0  }
0x3f: {  	v1 =	vld [tilespmem:s21+$0x0];
	_ =	sdelay $0x7  }
0x40: {  	v2 =	vld.idx.msk [tilespmem:v1+s14+$0x0], $0xffff;
	_ =	sdelay $0x4  }
0x41: {  	(erf) = vrcp.f32 v2;
	_ =	sdelay $0x4  }
0x42: {  	v3 =	vld [tilespmem:s21+$0xB00]  }
0x43: {  	v4 =	vld [tilespmem:s21+$0x580];
	_ =	sdelay $0x2  }
0x44: {  	v5 =	vpop (erf)  }
0x45: {  	v3 =	vmul.f32 v5, v3  }
0x46: {  	vm0 =	vgt.f32 v2, $0.0e+00  }
0x47: {  	v2 =	vnsel vm0, $0x0, v3  }
0x48: {  	vm15 =	veq.s32 v1, v4;
	[tilespmem:v1+s15+$0x0] =	vst.idx.add.f32.msk $0xffff, v2  }
0x49: {  	s22 =	simm.s32 $0x80;
	s21 =	simm.s32 $0x40;
	[tilespmem:v4+s16+$0x0] =	vst.idx.add.f32.msk $0xffff, v2;
	v2 =	vnsel vm15, $0x0, v2  }
.LBB2_4:
0x4a: {  	p0 =	sne.s32 s22, $0x1500  }
0x4b: {  	s23 =	sshra.s32 s21, $0x2;
	[tilespmem:v1+s17+$0x0] =	vst.idx.add.f32.msk $0xffff, v2;
	s21 =	smov.u32 s22;
	s22 =	sadd.s32 $0x40, s22  }
0x4c: {  	v1 =	vld [tilespmem:s23+$0x0];
	_ =	sdelay $0x7  }
0x4d: {  	v2 =	vld.idx.msk [tilespmem:v1+s14+$0x0], $0xffff;
	_ =	sdelay $0x5  }
0x4e: {  	(erf) = vrcp.f32 v2;
	_ =	sdelay $0x4  }
0x4f: {  	v3 =	vld [tilespmem:s23+$0xB00]  }
0x50: {  	v4 =	vld [tilespmem:s23+$0x580];
	_ =	sdelay $0x2  }
0x51: {  	v5 =	vpop (erf)  }
.Ltmp1:
0x52: {  	v3 =	vmul.f32 v5, v3;
	(pc) =	sbr.rel @p0 .LBB2_4-.Ltmp1, $4  }
0x53: {  	vm0 =	vgt.f32 v2, $0.0e+00;
	vm1 =	veq.s32 v1, v4  }
0x54: {  	v2 =	vnsel vm0, $0x0, v3  }
0x55: {  	[tilespmem:v1+s15+$0x0] =	vst.idx.add.f32.msk $0xffff, v2  }
0x56: {  	[tilespmem:v4+s16+$0x0] =	vst.idx.add.f32.msk $0xffff, v2;
	v2 =	vnsel vm1, $0x0, v2  }
0x57: {  	_ =	sdelay $0x3  }
0x58: {  	s21 =	sshra.s32 s21, $0x2;
	[tilespmem:v1+s17+$0x0] =	vst.idx.add.f32.msk $0xffff, v2  }
0x59: {  	v1 =	vld [tilespmem:s21+$0x0];
	_ =	sdelay $0x7  }
0x5a: {  	v2 =	vld.idx.msk [tilespmem:v1+s14+$0x0], $0xffff;
	_ =	sdelay $0x4  }
0x5b: {  	(erf) = vrcp.f32 v2;
	_ =	sdelay $0x4  }
0x5c: {  	v3 =	vld [tilespmem:s21+$0xB00]  }
0x5d: {  	v4 =	vld [tilespmem:s21+$0x580];
	_ =	sdelay $0x2  }
0x5e: {  	v5 =	vpop (erf)  }
0x5f: {  	v3 =	vmul.f32 v5, v3  }
0x60: {  	vm0 =	vgt.f32 v2, $0.0e+00  }
0x61: {  	v2 =	vnsel vm0, $0x0, v3  }
0x62: {  	vm15 =	veq.s32 v1, v4;
	[tilespmem:v1+s15+$0x0] =	vst.idx.add.f32.msk $0xffff, v2  }
0x63: {  	[tilespmem:v4+s16+$0x0] =	vst.idx.add.f32.msk $0xffff, v2;
	v2 =	vnsel vm15, $0x0, v2  }
0x64: {  	[tilespmem:v1+s17+$0x0] =	vst.idx.add.f32.msk $0xffff, v2  }
0x65: {  	[hbm4b:s7+s18] =	stream.strided.scatter [tilespmem:s15], [sflag:$0x1], $0xB00, s19, s18, $0x38;
	[tilespmem:$0x3C80] =	vst v63  }
0x66: {  	_ =	swait.ge [sflag:s11], $0xB00  }
0x67: {  	[sflag:s11] =	ssyncset.done $0x0  }
0x68: {  	[sflag:s11] =	ssyncadd.s32 $0xFFFFF500  }
0x69: {  	[hbm4b:s8+s18] =	stream.strided.scatter [tilespmem:s16], [sflag:$0x1], $0xB00, s19, s18, $0x38;
	[tilespmem:$0x3C80] =	vst v63  }
0x6a: {  	s20 =	sadd.s32 $0x1, s20;
	_ =	swait.ge [sflag:s11], $0xB00  }
0x6b: {  	p0 =	sne.s32 s20, s10;
	[sflag:s11] =	ssyncset.done $0x0  }
.Ltmp2:
0x6c: {  	[sflag:s11] =	ssyncadd.s32 $0xFFFFF500;
	(pc) =	sbr.rel @p0 .LBB2_1-.Ltmp2, $4  }
0x6d: {  	[hbm4b:s9+s18] =	stream.strided.scatter [tilespmem:s17], [sflag:$0x1], $0xB00, s19, s18, $0x38;
	[tilespmem:$0x3C80] =	vst v63  }
0x6e: {  	_ =	swait.ge [sflag:s11], $0xB00  }
0x6f: {  	[sflag:s11] =	ssyncset.done $0x0  }
0x70: {  	[sflag:s11] =	ssyncadd.s32 $0xFFFFF500  }
0x71: {  	_ =	sfence.sel $0x180000  }
0x72: {  	[bflag:$0x0] =	sbarrier.arrive $0xFFFF  }
0x73: {  	p0 =	sne.s32 s0, $0x0;
	_ =	strace $0x9000004D  }
0x74: {  	s0 =	sadd.s32 @!p0 $0x100000, s1;
	[bflag:$0x2] =	sbarrier.arrive $0xFFFF  }
0x75: {  	[sflag:s0] =	ssyncadd.tile.s32 @!p0 $0x1;
	_ =	shalt  }
.Lfunc_end2:
_tile_overlayer_lowered:
.L_overlay_start_2:
0x76: {  	(tag) =	ssettag $0x2  }
0x77: {  	s0 =	rddreg [dreg:$0x0];
	s2 =	stileid.u32  }
0x78: {  	s1 =	rddreg [dreg:$0x1];
	p0 =	sne.s32 s2, $0x0  }
0x79: {  	s3 =	rddreg [dreg:$0x2];
	[bflag:$0x3] =	sbarrier.arrive $0xFFFF;
	s2 =	simm.s32 @!p0 $0x1C01  }
0x7a: {  	[timem:s3], [sflag:s2] =	dma.local @!p0 [hbm:s0], s1  }
0x7b: {  	s0 =	simm.s32 @!p0 $0x1  }
0x7c: {  	_ =	swait.ge @!p0 [sflag:s0], s1  }
0x7d: {  	s1 =	ssub.s32 @!p0 $0x0, s1;
	[sflag:s0] =	ssyncset.done @!p0 $0x0  }
0x7e: {  	[sflag:s0] =	ssyncadd.s32 @!p0 s1  }
0x7f: {  	[bflag:$0x3] =	sbarrier.arrive $0xFFFF  }
0x80: {  	_ =	shalt  }

// kernel: kernel.9.cloned.1.call-start
scs
__scs_entry_jumppad:
0x0: {  	(pc) =	sbr.rel $0x88, $3  }
0x1: {  	(tag) =	ssettag $0x0;
	lr =	simm.s32 $0x1  }
0x2: {  	[smem:$0x3F9B] =	sst lr;
	_ =	strace $0xD0000000  }
0x3: {  	_ = 	snop  }
0x4: {  	_ = 	snop  }
0x5: {  	_ = 	snop  }
0x6: {  	_ = 	snop  }
0x7: {  	_ = 	snop  }
__scs_overlays_trampoline_lowered:
0x8: {  	[smem:$0x3FAA] =	sst s0  }
0x9: {  	[smem:$0x3FAB] =	sst s1  }
0xa: {  	[smem:$0x3FAC] =	sst s2  }
0xb: {  	[smem:$0x3FAD] =	sst s3  }
0xc: {  	[smem:$0x3FAE] =	sst s4  }
0xd: {  	[smem:$0x3FAF] =	sst s5  }
0xe: {  	[smem:$0x3FB0] =	sst s6  }
0xf: {  	[smem:$0x3FB1] =	sst s7  }
0x10: {  	[smem:$0x3FB2] =	sst s8  }
0x11: {  	[smem:$0x3FB3] =	sst s9;
	s0 =	simm.s32 @!p0 $0x0  }
0x12: {  	s1 =	sld [smem:$0x3F99];
	s0 =	simm.s32 @p0 $0x1  }
0x13: {  	[smem:$0x3FB4] =	sst s0;
	s0 =	simm.s32 @!p1 $0x0  }
0x14: {  	s2 =	sld [smem:$0x3F98];
	s0 =	simm.s32 @p1 $0x1  }
0x15: {  	[smem:$0x3FB5] =	sst s0;
	s0 =	simm.s32 @!p2 $0x0  }
0x16: {  	s3 =	sld [smem:$0x3FDB];
	s0 =	simm.s32 @p2 $0x1  }
0x17: {  	s4 =	simm.s32 $0x1BF5;
	[smem:$0x3FB7] =	sst s0  }
0x18: {  	s0 =	sld [smem:$0x3F9A];
	_ =	swait.ge [sflag:s4], $0x0  }
0x19: {  	s7 =	sld [smem:$0x3F9B]  }
0x1a: {  	s8 =	sadd.s32 $0xFFFFE003, lr  }
0x1b: {  	s9 =	sadd.s32 $0xFFFFFEF7, lr;
	s5 =	simm.s32 $0xFFFFFFFF;
	p2 =	slt.u32 s8, $0xFFFFF086  }
0x1c: {  	p1 =	slt.u32 s9, $0xF7A;
	s5 =	simm.s32 @!p2 $0x0  }
0x1d: {  	s5 =	simm.s32 @p1 $0x1;
	p0 =	seq.s32 s7, s2  }
0x1e: {  	s7 =	smul.u32 @!p0 $0xF7A, s2;
	p2 =	seq.s32 @!p0 s5, $0x0  }
0x1f: {  	s9 =	smul.u32 $0xF7A, s1;
	s8 =	simm.s32 @!p0 $0x1BF5;
	p2 =	por !p2, p0  }
0x20: {  	[sflag:s8] =	ssyncset.s32 @!p0 $0xFFFFF086;
	s6 =	sadd.s32 @!p0 s3, s7;
	s7 =	simm.s32 @!p0 $0x108  }
0x21: {  	s3 =	sadd.s32 s3, s9;
	s6 =	sadd.s32 @!p0 $0x88, s6;
	s7 =	simm.s32 @p2 $0x1082  }
0x22: {  	[simem:s7], [sflag:s8] =	dma.local @!p0 [hbm:s6], $0xF7A  }
0x23: {  	s9 =	sor.u32 $0xD0000000, s2;
	s6 =	simm.s32 $0x108;
	_ =	swait.ge @!p0 [sflag:s8], $0x0  }
0x24: {  	s3 =	sadd.s32 $0x88, s3;
	s6 =	simm.s32 @!p1 $0x1082;
	[sflag:s4] =	ssyncset.s32 $0xFFFFF086  }
0x25: {  	[simem:s6], [sflag:s4] =	dma.local [hbm:s3], $0xF7A  }
0x26: {  	[smem:$0x3F9B] =	sst s1;
	(tag) =	ssettag s2;
	_ =	strace s9  }
0x27: {  	s1 =	sld [smem:$0x3FAB]  }
0x28: {  	s2 =	sld [smem:$0x3FAC]  }
0x29: {  	s4 =	sld [smem:$0x3FAE]  }
0x2a: {  	p0 =	seq.s32 s5, $0x0;
	s5 =	sld [smem:$0x3FAF]  }
0x2b: {  	s6 =	sld [smem:$0x3FB0]  }
0x2c: {  	s7 =	sld [smem:$0x3FB1]  }
0x2d: {  	s3 =	simm.s32 $0x108;
	s8 =	sld [smem:$0x3FB2]  }
0x2e: {  	s3 =	simm.s32 @!p0 $0x1082;
	s9 =	sld [smem:$0x3FB3]  }
0x2f: {  	lr =	sadd.s32 s0, s3;
	s0 =	sld [smem:$0x3FAA]  }
0x30: {  	s3 =	sld [smem:$0x3FAD]  }
0x31: {  	[smem:$0x3FB6] =	sst s10  }
0x32: {  	s10 =	sld [smem:$0x3FB4];
	_ =	sdelay $0x3  }
0x33: {  	p0 =	seq.s32 s10, $0x1;
	s10 =	sld [smem:$0x3FB6];
	_ =	sdelay $0x3  }
0x34: {  	[smem:$0x3FB6] =	sst s10  }
0x35: {  	s10 =	sld [smem:$0x3FB5];
	_ =	sdelay $0x3  }
0x36: {  	p1 =	seq.s32 s10, $0x1;
	s10 =	sld [smem:$0x3FB6];
	_ =	sdelay $0x3  }
0x37: {  	[smem:$0x3FB6] =	sst s10  }
0x38: {  	s10 =	sld [smem:$0x3FB7]  }
0x39: {  	_ = 	snop;
	(pc) =	sbr.ind lr, $3  }
0x3a: {  	_ = 	snop  }
0x3b: {  	_ = 	snop  }
0x3c: {  	p2 =	seq.s32 s10, $0x1;
	s10 =	sld [smem:$0x3FB6]  }
0x3d: {  	_ =	shalt  }
0x3e: {  	_ =	shalt  }
0x3f: {  	_ =	shalt  }
0x40: {  	_ =	shalt  }
0x41: {  	_ =	shalt  }
0x42: {  	_ =	shalt  }
0x43: {  	_ =	shalt  }
0x44: {  	_ =	shalt  }
0x45: {  	_ =	shalt  }
0x46: {  	_ =	shalt  }
0x47: {  	_ =	shalt  }
0x48: {  	_ =	shalt  }
0x49: {  	_ =	shalt  }
0x4a: {  	_ =	shalt  }
0x4b: {  	_ =	shalt  }
0x4c: {  	_ =	shalt  }
0x4d: {  	_ =	shalt  }
0x4e: {  	_ =	shalt  }
0x4f: {  	_ =	shalt  }
0x50: {  	_ =	shalt  }
0x51: {  	_ =	shalt  }
0x52: {  	_ =	shalt  }
0x53: {  	_ =	shalt  }
0x54: {  	_ =	shalt  }
0x55: {  	_ =	shalt  }
0x56: {  	_ =	shalt  }
0x57: {  	_ =	shalt  }
0x58: {  	_ =	shalt  }
0x59: {  	_ =	shalt  }
0x5a: {  	_ =	shalt  }
0x5b: {  	_ =	shalt  }
0x5c: {  	_ =	shalt  }
0x5d: {  	_ =	shalt  }
0x5e: {  	_ =	shalt  }
0x5f: {  	_ =	shalt  }
0x60: {  	_ =	shalt  }
0x61: {  	_ =	shalt  }
0x62: {  	_ =	shalt  }
0x63: {  	_ =	shalt  }
0x64: {  	_ =	shalt  }
0x65: {  	_ =	shalt  }
0x66: {  	_ =	shalt  }
0x67: {  	_ =	shalt  }
0x68: {  	_ =	shalt  }
0x69: {  	_ =	shalt  }
0x6a: {  	_ =	shalt  }
0x6b: {  	_ =	shalt  }
0x6c: {  	_ =	shalt  }
0x6d: {  	_ =	shalt  }
0x6e: {  	_ =	shalt  }
0x6f: {  	_ =	shalt  }
0x70: {  	_ =	shalt  }
0x71: {  	_ =	shalt  }
0x72: {  	_ =	shalt  }
0x73: {  	_ =	shalt  }
0x74: {  	_ =	shalt  }
0x75: {  	_ =	shalt  }
0x76: {  	_ =	shalt  }
0x77: {  	_ =	shalt  }
0x78: {  	_ =	shalt  }
0x79: {  	_ =	shalt  }
0x7a: {  	_ =	shalt  }
0x7b: {  	_ =	shalt  }
0x7c: {  	_ =	shalt  }
0x7d: {  	_ =	shalt  }
0x7e: {  	_ =	shalt  }
0x7f: {  	_ =	shalt  }
0x80: {  	_ =	shalt  }
0x81: {  	_ =	shalt  }
0x82: {  	_ =	shalt  }
0x83: {  	_ =	shalt  }
0x84: {  	_ =	shalt  }
0x85: {  	_ =	shalt  }
0x86: {  	_ =	shalt  }
0x87: {  	_ =	shalt  }
.Lfunc_end0:
.L_simem_size_0:
called_computation_lowered:
.L_overlay_start_0:
0x88: {  	s2 =	sld [smem:$0x3FD9]  }
0x89: {  	s3 =	sld [smem:$0x3FFE];
	_ =	sdelay $0x1  }
0x8a: {  	s1 =	srdreg.scid  }
0x8b: {  	s0 =	sand.u32 $0x1, s1  }
0x8c: {  	s16 =	sshll.u32 s0, $0xA;
	s2 =	sadd.s32 s3, s2  }
0x8d: {  	s2 =	sadd.s32 s2, s16  }
0x8e: {  	[smem:$0x3FC2] =	sst s2  }
0x8f: {  	_ = 	snop  }
0x90: {  	(tm) =	ssettm $0x1  }
0x91: {  	s17 =	sld [smem:$0x3FFB];
	_ =	sdelay $0x3  }
0x92: {  	_ =	strace s17  }
0x93: {  	s2 =	sld [smem:$0x3FFC];
	_ =	sdelay $0x3  }
0x94: {  	_ =	strace s2  }
0x95: {  	s2 =	sld [smem:$0x3FFD];
	_ =	sdelay $0x3  }
0x96: {  	_ =	strace s2  }
0x97: {  	_ =	strace $0x8FFFFFFF  }
0x98: {  	s18 =	sld [smem:$0x3FDB];
	_ =	sdelay $0x1  }
0x99: {  	s19 =	simm.s32 $_scs_section_size  }
0x9a: {  	s4 =	simm.s32 $_size__tile_overlayer_lowered;
	s5 =	simm.s32 $_tile_overlayer_lowered  }
0x9b: {  	s22 =	simm.s32 $0x1BFF;
	s21 =	sshll.u32 s5, $0x1;
	s2 =	sadd.s32 s19, s18  }
0x9c: {  	s6 =	simm.s32 $0x0;
	s20 =	sshll.u32 s4, $0x1;
	s4 =	sadd.s32 s21, s2  }
0x9d: {  	[timem:s6], [sflag:s22] =	dma.local [hbm:s4], s20  }
0x9e: {  	_ =	swait.ge [sflag:s22], s20  }
0x9f: {  	s3 =	ssub.s32 $0x0, s20;
	[sflag:s22] =	ssyncset.done $0x0  }
0xa0: {  	[sflag:s22] =	ssyncadd.s32 s3;
	_ =	sdelay $0x1  }
0xa1: {  	s23 =	simm.s32 $0x1B8B  }
0xa2: {  	_ =	swait.ge [sflag:s23], $0x1  }
0xa3: {  	[sflag:s23] =	ssyncset.done $0x0  }
0xa4: {  	s25 =	simm.s32 $0x1B8E;
	s24 =	sld [smem:$0x3FFE];
	[sflag:s23] =	ssyncadd.s32 $0xFFFFFFFF  }
0xa5: {  	s26 =	simm.s32 $execute0_lowered;
	[smem:$0x3FD2] =	sst s25  }
0xa6: {  	s4 =	sshll.u32 s26, $0x1;
	_ =	strace $0x80000046;
	[dreg:$0x1] =	wrdreg $0xFFFFFFFF  }
0xa7: {  	s28 =	simm.s32 $_size_execute0_lowered;
	s2 =	sadd.s32 s2, s4;
	[dreg:$0x0] =	wrdreg $0x0  }
0xa8: {  	s4 =	sshll.u32 s28, $0x1;
	[dreg:$0x2] =	wrdreg s2  }
0xa9: {  	[dreg:$0x3] =	wrdreg s4  }
0xaa: {  	[dreg:$0x4] =	wrdreg $0xC0  }
0xab: {  	_ =	task [dreg:s6], $0x5FFFF  }
0xac: {  	[dreg:$0x1] =	wrdreg $0xFFFFFFFF  }
0xad: {  	[dreg:$0x0] =	wrdreg $0x60  }
0xae: {  	[dreg:$0x2] =	wrdreg s24  }
0xaf: {  	[dreg:$0x3] =	wrdreg $0x9  }
0xb0: {  	_ =	task.clear_ibuf [dreg:s6], $0x4FFFF;
	_ =	strace $0x90000046  }
0xb1: {  	s29 =	simm.s32 $0x9;
	_ =	strace $0x80000048  }
0xb2: {  	_ =	swait.ge [sflag:s29], $0x1  }
0xb3: {  	[sflag:s29] =	ssyncadd.s32 $0xFFFFFFFF  }
0xb4: {  	_ =	strace $0x90000048  }
0xb5: {  	_ =	sfence  }
0xb6: {  	s30 =	sld [smem:$0x0];
	_ =	sdelay $0x2  }
0xb7: {  	s31 =	sshll.u32 s1, $0xD;
	s1 =	sshrl.u32 s1, $0x2  }
0xb8: {  	s3 =	sand.u32 $0x4000, s31;
	s1 =	sadd.s32 s1, s30  }
0xb9: {  	s0 =	sor.u32 s3, s0;
	s1 =	sshll.u32 s1, $0x11  }
0xba: {  	s0 =	sor.u32 s1, s0  }
0xbb: {  	s0 =	sadd.s32 $0x8F2B, s0  }
0xbc: {  	[sflag:s0] =	ssyncadd.remote.s32 $0x1  }
0xbd: {  	_ =	sfence.sel $0xFFFF  }
0xbe: {  	[dreg:$0x0] =	wrdreg $0xFFFFFFFF;
	(pc) =	sbr.abs _section_cstart, $3  }
0xbf: {  	[dreg:$0x1] =	wrdreg $0xFFFFFFFF  }
0xc0: {  	_ =	task.clear_ibuf [dreg:s6], $0x2FFFF;
	_ =	strace $0x9FFFFFFF  }
0xc1: {  	(tm) =	ssettm $0x7FFFFFFF  }
tec
execute0_lowered:
.L_overlay_start_1:
0x0: {  	(tag) =	ssettag $0x1  }
0x1: {  	s1 =	srdreg.scid  }
0x2: {  	s0 =	stileid.u32;
	s3 =	rddreg [dreg:$0x0];
	s2 =	simm.s32 $0x0  }
0x3: {  	s10 =	simm.s32 $0x550;
	s11 =	simm.s32 $0xB00;
	s12 =	simm.s32 $0x1080  }
0x4: {  	s13 =	simm.s32 $0x1;
	s4 =	sand.u32 $0x1, s1;
	s31 =	sshll.u32 s0, $0x1  }
0x5: {  	s14 =	simm.s32 $0x0;
	s7 =	smul.u32 $0xAA0, s0;
	s1 =	sor.u32 s4, s31  }
0x6: {  	[smem:$0x7FF] =	sst s2;
	s6 =	ssub.s32 $0x2, s4;
	s5 =	smul.u32 $0x550, s1  }
0x7: {  	s9 =	smul.u32 $0x550, s4;
	s1 =	rddreg [dreg:$0x1];
	s8 =	sshrl.u32 s6, $0x1  }
0x8: {  	_ =	strace $0x80000047;
	s6 =	ssub.s32 s6, s8;
	s5 =	smin.u32 s5, $0xA3F0  }
0x9: {  	s7 =	sadd.s32 s9, s7;
	s8 =	simm.s32 $0x2;
	s5 =	sshrl.u32 s5, $0x3  }
0xa: {  	s9 =	simm.s32 $0x580;
	s6 =	smax.u32 s6, $0x1;
	s5 =	sadd.s32 s5, s3  }
0xb: {  	v0 =	vlaneseq.u32;
	s3 =	sadd.s32 $0x4400, s3;
	s4 =	sadd.s32 $0x2E00, s5;
	s5 =	sadd.s32 $0x1800, s5  }
.LBB2_1:
0xc: {  	[tilespmem:s2], [sflag:$0x2] =	stream.linear.gather [hbm4b:s4+s2], $0x550, $0x38;
	[tilespmem:$0x1600] =	vst v63  }
0xd: {  	_ =	swait.ge [sflag:s8], $0x550  }
0xe: {  	[sflag:s8] =	ssyncset.done $0x0  }
0xf: {  	[sflag:s8] =	ssyncadd.s32 $0xFFFFFAB0  }
0x10: {  	[tilespmem:s9], [sflag:$0x2] =	stream.linear.gather [hbm4b:s5+s2], $0x550, $0x38;
	[tilespmem:$0x1600] =	vst v63  }
0x11: {  	_ =	swait.ge [sflag:s8], $0x550  }
0x12: {  	[sflag:s8] =	ssyncset.done $0x0  }
0x13: {  	s15 =	simm.s32 $0x0;
	[sflag:s8] =	ssyncadd.s32 $0xFFFFFAB0  }
0x14: {  	v1 =	vld [tilespmem:s15+$0x0]  }
0x15: {  	v2 =	vor.u32 s7, v0  }
0x16: {  	[tilespmem:s15+$0x1080] =	vst v2;
	v2 =	vld [tilespmem:s15+$0x580];
	_ =	sdelay $0x1  }
0x17: {  	s16 =	simm.s32 $0x40;
	s17 =	sadd.s32 $0x10, s7  }
.LBB2_2:
0x18: {  	s18 =	sshra.s32 s16, $0x2;
	v3 =	vor.u32 s17, v0;
	p0 =	sne.s32 s16, $0x1500;
	s16 =	sadd.s32 $0x40, s16;
	v4 =	vmul.u32 $0xA94, v1  }
.Ltmp0:
0x19: {  	v1 =	vld [tilespmem:s18+$0x0];
	[tilespmem:s18+$0x1080] =	vst v3;
	(pc) =	sbr.rel @p0 .LBB2_2-.Ltmp0, $3  }
0x1a: {  	v3 =	vadd.s32 v2, v4  }
0x1b: {  	v2 =	vld [tilespmem:s18+$0x580];
	[tilespmem:s15+$0xB00] =	vst v3;
	s15 =	smov.u32 s18;
	_ =	sdelay $0x1  }
0x1c: {  	s17 =	sadd.s32 $0x10, s17  }
0x1d: {  	v1 =	vmul.u32 $0xA94, v1  }
0x1e: {  	s14 =	sadd.s32 $0x1, s14  }
0x1f: {  	p0 =	sne.s32 s14, s6;
	v1 =	vadd.s32 v2, v1  }
.Ltmp1:
0x20: {  	[tilespmem:s15+$0xB00] =	vst v1;
	(pc) =	sbr.rel @p0 .LBB2_1-.Ltmp1, $4  }
0x21: {  	[hbm4b:s3+s10] =	stream.indirect.scatter [tilespmem:s12], [sflag:$0x1], $0x1, s11, s10, $0xb8;
	[tilespmem:$0x1600] =	vst v63  }
0x22: {  	_ =	swait.ge [sflag:s13], $0x550  }
0x23: {  	[sflag:s13] =	ssyncset.done $0x0  }
0x24: {  	[sflag:s13] =	ssyncadd.s32 $0xFFFFFAB0  }
0x25: {  	_ =	sfence.sel $0x180000  }
0x26: {  	[bflag:$0x0] =	sbarrier.arrive $0xFFFF  }
0x27: {  	p0 =	sne.s32 s0, $0x0;
	_ =	strace $0x90000047  }
0x28: {  	s0 =	sadd.s32 @!p0 $0x100000, s1;
	[bflag:$0x2] =	sbarrier.arrive $0xFFFF  }
0x29: {  	[sflag:s0] =	ssyncadd.tile.s32 @!p0 $0x1;
	_ =	shalt  }
.Lfunc_end2:
_tile_overlayer_lowered:
.L_overlay_start_2:
0x2a: {  	(tag) =	ssettag $0x2  }
0x2b: {  	s0 =	rddreg [dreg:$0x0];
	s2 =	stileid.u32  }
0x2c: {  	s1 =	rddreg [dreg:$0x1];
	p0 =	sne.s32 s2, $0x0  }
0x2d: {  	s3 =	rddreg [dreg:$0x2];
	[bflag:$0x3] =	sbarrier.arrive $0xFFFF;
	s2 =	simm.s32 @!p0 $0x1C02  }
0x2e: {  	[timem:s3], [sflag:s2] =	dma.local @!p0 [hbm:s0], s1  }
0x2f: {  	s0 =	simm.s32 @!p0 $0x2  }
0x30: {  	_ =	swait.ge @!p0 [sflag:s0], s1  }
0x31: {  	s1 =	ssub.s32 @!p0 $0x0, s1;
	[sflag:s0] =	ssyncset.done @!p0 $0x0  }
0x32: {  	[sflag:s0] =	ssyncadd.s32 @!p0 s1  }
0x33: {  	[bflag:$0x3] =	sbarrier.arrive $0xFFFF  }
0x34: {  	_ =	shalt  }

</sc_bundles>
